<compile_context>
chip_gen: v7x
topology: tpu7x:2x2x1
jax: 0.10.2.dev20260603
libtpu: 0.0.44.dev20260713+nightly
codegen_flags: <defaults>
</compile_context>

<pallas_src>
import functools

import jax
import jax.numpy as jnp
from jax import lax
from jax.experimental import pallas as pl
from jax.experimental.pallas import tpu as pltpu
from jax.experimental.pallas import tpu_sc as plsc

D_MODEL = 768
_NC = 2
_NS = 16
_NW = _NC * _NS
_CH = 32
_CHD = _CH * D_MODEL


def _sc_kernel(S):
    rows_per_w = S // _NW
    chunks = rows_per_w // _CH

    @functools.partial(
        pl.kernel,
        mesh=plsc.VectorSubcoreMesh(core_axis_name="c", subcore_axis_name="s"),
        out_type=jax.ShapeDtypeStruct((4, S * D_MODEL), jnp.float32),
        scratch_types=[
            pltpu.VMEM_SHARED((_NS, 4, _CHD), jnp.float32),
            pltpu.SemaphoreType.DMA,
            pltpu.SemaphoreType.DMA,
        ],
    )
    def k(x_hbm, pos_hbm, out_hbm, sp, in_sem, out_sem):
        sid = lax.axis_index("s")
        wid = sid * _NC + lax.axis_index("c")
        base = wid * rows_per_w
        xa, xb, xc, xd = sp.at[sid, 0], sp.at[sid, 1], sp.at[sid, 2], sp.at[sid, 3]

        def chunk_body(ch, carry):
            off = (base + ch * _CH) * D_MODEL
            ws = [
                pltpu.async_copy(x_hbm.at[0, pl.ds(off, _CHD)], xa, in_sem),
                pltpu.async_copy(x_hbm.at[1, pl.ds(off, _CHD)], xb, in_sem),
                pltpu.async_copy(x_hbm.at[2, pl.ds(off, _CHD)], xc, in_sem),
                pltpu.async_copy(x_hbm.at[3, pl.ds(off, _CHD)], xd, in_sem),
            ]
            for w in ws:
                w.wait()
            ws = [
                pltpu.async_copy(xa, out_hbm.at[0, pl.ds(off, _CHD)], out_sem),
                pltpu.async_copy(xb, out_hbm.at[1, pl.ds(off, _CHD)], out_sem),
                pltpu.async_copy(xc, out_hbm.at[2, pl.ds(off, _CHD)], out_sem),
                pltpu.async_copy(xd, out_hbm.at[3, pl.ds(off, _CHD)], out_sem),
            ]
            for w in ws:
                w.wait()
            return carry

        lax.fori_loop(0, chunks, chunk_body, 0)

    return k


def kernel(x, pos_table):
    B, S, D = x.shape
    x2 = x.reshape(B, S * D)
    pos2 = pos_table.reshape(S * D)
    out2 = _sc_kernel(S)(x2, pos2)
    return out2.reshape(B, S, D)

# --- scband reference (transcript-rebuilt; emitter-appended) ---
"""Pipeline reference for scband-learnable-positional-encoding-40544491274714 (READ-ONLY COPY).

The authoritative reference and input builder live on the scoring server;
editing this copy changes nothing except your own understanding.
"""

import jax, jax.numpy as jnp
import numpy as np

D_MODEL = 768
MAX_LEN = 8192
# PositionalEncoding1D(channels=max_len): internal channels rounded up to even
PE_CHANNELS = int(np.ceil(MAX_LEN / 2) * 2)


def setup_inputs(seed: int = 0) -> dict:
    key = jax.random.key(seed)
    k1, k2 = jax.random.split(key)
    x = jax.random.normal(k1, (4, 8192, D_MODEL), dtype=jnp.float32)
    # learned positional embedding table, nn.Embedding(max_len, d_model) default init N(0,1)
    pos_table = jax.random.normal(k2, (MAX_LEN, D_MODEL), dtype=jnp.float32)
    return {"x": x, "pos_table": pos_table}


def _sinusoidal_pe(seq_len, orig_ch):
    # faithful to positional_encodings.PositionalEncoding1D with channels=PE_CHANNELS
    inv_freq = 1.0 / (10000.0 ** (jnp.arange(0, PE_CHANNELS, 2, dtype=jnp.float32) / PE_CHANNELS))
    pos_x = jnp.arange(seq_len, dtype=jnp.float32)
    sin_inp = pos_x[:, None] * inv_freq[None, :]
    emb = jnp.concatenate([jnp.sin(sin_inp), jnp.cos(sin_inp)], axis=-1)  # [seq_len, PE_CHANNELS]
    return emb[:, :orig_ch]  # [seq_len, orig_ch]


def reference(x, pos_table):
    seq_len = x.shape[1]
    orig_ch = x.shape[2]
    positions = jnp.arange(seq_len, dtype=jnp.int32)
    vit_pos = jnp.take(pos_table, positions, axis=0)  # [seq_len, d_model]
    trans_pos = _sinusoidal_pe(seq_len, orig_ch)  # [seq_len, d_model]
    out = x + trans_pos[None, :, :] + vit_pos[None, :, :]
    return out

if __name__ == "__main__":
    import jax
    _d = setup_inputs()
    print(jax.jit(kernel)(*tuple(_d.values())))

</pallas_src>

<mosaic_0001>
#map = affine_map<(d0, d1) -> (0, 0)>
#map1 = affine_map<(d0, d1) -> (0)>
module attributes {stable_mosaic.version = 14 : i64} {
  func.func @k(%arg0: i32, %arg1: i32, %arg2: memref<4x6291456xf32, #tpu.memory_space<hbm>>, %arg3: memref<6291456xf32, #tpu.memory_space<hbm>>, %arg4: memref<4x6291456xf32, #tpu.memory_space<hbm>>, %arg5: memref<16x4x24576xf32, #tpu.memory_space<vmem_shared>>, %arg6: memref<!tpu.dma_semaphore, #tpu.memory_space<semaphore_mem>>, %arg7: memref<!tpu.dma_semaphore, #tpu.memory_space<semaphore_mem>>) attributes {dimension_semantics = [#tpu.dimension_semantics<core_parallel>, #tpu.dimension_semantics<subcore_parallel>], iteration_bounds = array<i64: 2, 16>, scalar_prefetch = 0 : i64, scratch_operands = 3 : i64, tpu.core_type = #tpu.core_type<sc_vector_subcore>, window_params = [{transform_indices = #map}, {transform_indices = #map1}, {transform_indices = #map}]} {
    %mul3A = arith.constant 2 : i32
    %mul3A_0 = arith.muli %arg1, %mul3A : i32
    %add3A = arith.addi %mul3A_0, %arg0 : i32
    %mul3A_1 = arith.constant 256 : i32
    %mul3A_2 = arith.muli %add3A, %mul3A_1 : i32
    %scan3A = arith.constant 0 : i32
    %scan3A_3 = arith.constant 0 : i32
    %scan3A_4 = arith.constant 1 : i32
    %scan3A_5 = arith.constant 2 : i32
    %scan3A_6 = arith.constant 3 : i32
    %scan3A_7 = arith.constant 0 : i32
    %scan3A_8 = arith.constant 8 : i32
    %scan3A_9 = arith.addi %scan3A_7, %scan3A_8 : i32
    %scan3A_10 = arith.constant 1 : i32
    scf.for %scan3A_12 = %scan3A_7 to %scan3A_9 step %scan3A_10  : i32 {
      %mul3A_13 = arith.constant 32 : i32
      %mul3A_14 = arith.muli %scan3A_12, %mul3A_13 : i32
      %add3A_15 = arith.addi %mul3A_2, %mul3A_14 : i32
      %mul3A_16 = arith.constant 768 : i32
      %mul3A_17 = arith.muli %add3A_15, %mul3A_16 : i32
      %dma_start3A = arith.constant 0 : i32
      %dma_start3A_18 = arith.constant 0 : i32
      %dma_start3A_19 = tpu.memref_slice %arg5[%arg1, %scan3A_3, %dma_start3A_18] : memref<16x4x24576xf32, #tpu.memory_space<vmem_shared>> -> memref<1x1x24576xf32, #tpu.memory_space<vmem_shared>>
      %dma_start3A_20 = tpu.memref_squeeze %dma_start3A_19 : memref<1x1x24576xf32, #tpu.memory_space<vmem_shared>> -> memref<24576xf32, #tpu.memory_space<vmem_shared>>
      %dma_start3A_21 = tpu.memref_slice %arg2[%dma_start3A, %mul3A_17] : memref<4x6291456xf32, #tpu.memory_space<hbm>> -> memref<1x24576xf32, #tpu.memory_space<hbm>>
      %dma_start3A_22 = tpu.memref_squeeze %dma_start3A_21 : memref<1x24576xf32, #tpu.memory_space<hbm>> -> memref<24576xf32, #tpu.memory_space<hbm>>
      tpu.enqueue_dma source(%dma_start3A_22 : memref<24576xf32, #tpu.memory_space<hbm>>) target(%dma_start3A_20 : memref<24576xf32, #tpu.memory_space<vmem_shared>>) target_semaphore(%arg6 : memref<!tpu.dma_semaphore, #tpu.memory_space<semaphore_mem>>)
      %dma_start3A_23 = arith.constant 1 : i32
      %dma_start3A_24 = arith.constant 0 : i32
      %dma_start3A_25 = tpu.memref_slice %arg5[%arg1, %scan3A_4, %dma_start3A_24] : memref<16x4x24576xf32, #tpu.memory_space<vmem_shared>> -> memref<1x1x24576xf32, #tpu.memory_space<vmem_shared>>
      %dma_start3A_26 = tpu.memref_squeeze %dma_start3A_25 : memref<1x1x24576xf32, #tpu.memory_space<vmem_shared>> -> memref<24576xf32, #tpu.memory_space<vmem_shared>>
      %dma_start3A_27 = tpu.memref_slice %arg2[%dma_start3A_23, %mul3A_17] : memref<4x6291456xf32, #tpu.memory_space<hbm>> -> memref<1x24576xf32, #tpu.memory_space<hbm>>
      %dma_start3A_28 = tpu.memref_squeeze %dma_start3A_27 : memref<1x24576xf32, #tpu.memory_space<hbm>> -> memref<24576xf32, #tpu.memory_space<hbm>>
      tpu.enqueue_dma source(%dma_start3A_28 : memref<24576xf32, #tpu.memory_space<hbm>>) target(%dma_start3A_26 : memref<24576xf32, #tpu.memory_space<vmem_shared>>) target_semaphore(%arg6 : memref<!tpu.dma_semaphore, #tpu.memory_space<semaphore_mem>>)
      %dma_start3A_29 = arith.constant 2 : i32
      %dma_start3A_30 = arith.constant 0 : i32
      %dma_start3A_31 = tpu.memref_slice %arg5[%arg1, %scan3A_5, %dma_start3A_30] : memref<16x4x24576xf32, #tpu.memory_space<vmem_shared>> -> memref<1x1x24576xf32, #tpu.memory_space<vmem_shared>>
      %dma_start3A_32 = tpu.memref_squeeze %dma_start3A_31 : memref<1x1x24576xf32, #tpu.memory_space<vmem_shared>> -> memref<24576xf32, #tpu.memory_space<vmem_shared>>
      %dma_start3A_33 = tpu.memref_slice %arg2[%dma_start3A_29, %mul3A_17] : memref<4x6291456xf32, #tpu.memory_space<hbm>> -> memref<1x24576xf32, #tpu.memory_space<hbm>>
      %dma_start3A_34 = tpu.memref_squeeze %dma_start3A_33 : memref<1x24576xf32, #tpu.memory_space<hbm>> -> memref<24576xf32, #tpu.memory_space<hbm>>
      tpu.enqueue_dma source(%dma_start3A_34 : memref<24576xf32, #tpu.memory_space<hbm>>) target(%dma_start3A_32 : memref<24576xf32, #tpu.memory_space<vmem_shared>>) target_semaphore(%arg6 : memref<!tpu.dma_semaphore, #tpu.memory_space<semaphore_mem>>)
      %dma_start3A_35 = arith.constant 3 : i32
      %dma_start3A_36 = arith.constant 0 : i32
      %dma_start3A_37 = tpu.memref_slice %arg5[%arg1, %scan3A_6, %dma_start3A_36] : memref<16x4x24576xf32, #tpu.memory_space<vmem_shared>> -> memref<1x1x24576xf32, #tpu.memory_space<vmem_shared>>
      %dma_start3A_38 = tpu.memref_squeeze %dma_start3A_37 : memref<1x1x24576xf32, #tpu.memory_space<vmem_shared>> -> memref<24576xf32, #tpu.memory_space<vmem_shared>>
      %dma_start3A_39 = tpu.memref_slice %arg2[%dma_start3A_35, %mul3A_17] : memref<4x6291456xf32, #tpu.memory_space<hbm>> -> memref<1x24576xf32, #tpu.memory_space<hbm>>
      %dma_start3A_40 = tpu.memref_squeeze %dma_start3A_39 : memref<1x24576xf32, #tpu.memory_space<hbm>> -> memref<24576xf32, #tpu.memory_space<hbm>>
      tpu.enqueue_dma source(%dma_start3A_40 : memref<24576xf32, #tpu.memory_space<hbm>>) target(%dma_start3A_38 : memref<24576xf32, #tpu.memory_space<vmem_shared>>) target_semaphore(%arg6 : memref<!tpu.dma_semaphore, #tpu.memory_space<semaphore_mem>>)
      %dma_wait3A = arith.constant 0 : i32
      %dma_wait3A_41 = arith.constant 0 : i32
      %dma_wait3A_42 = tpu.memref_slice %arg5[%arg1, %scan3A_3, %dma_wait3A_41] : memref<16x4x24576xf32, #tpu.memory_space<vmem_shared>> -> memref<1x1x24576xf32, #tpu.memory_space<vmem_shared>>
      %dma_wait3A_43 = tpu.memref_squeeze %dma_wait3A_42 : memref<1x1x24576xf32, #tpu.memory_space<vmem_shared>> -> memref<24576xf32, #tpu.memory_space<vmem_shared>>
      %dma_wait3A_44 = tpu.memref_slice %arg2[%dma_wait3A, %mul3A_17] : memref<4x6291456xf32, #tpu.memory_space<hbm>> -> memref<1x24576xf32, #tpu.memory_space<hbm>>
      %dma_wait3A_45 = tpu.memref_squeeze %dma_wait3A_44 : memref<1x24576xf32, #tpu.memory_space<hbm>> -> memref<24576xf32, #tpu.memory_space<hbm>>
      tpu.wait_dma2 semaphore(%arg6 : memref<!tpu.dma_semaphore, #tpu.memory_space<semaphore_mem>>) src(%dma_wait3A_45 : memref<24576xf32, #tpu.memory_space<hbm>>) dst(%dma_wait3A_43 : memref<24576xf32, #tpu.memory_space<vmem_shared>>)
      %dma_wait3A_46 = arith.constant 1 : i32
      %dma_wait3A_47 = arith.constant 0 : i32
      %dma_wait3A_48 = tpu.memref_slice %arg5[%arg1, %scan3A_4, %dma_wait3A_47] : memref<16x4x24576xf32, #tpu.memory_space<vmem_shared>> -> memref<1x1x24576xf32, #tpu.memory_space<vmem_shared>>
      %dma_wait3A_49 = tpu.memref_squeeze %dma_wait3A_48 : memref<1x1x24576xf32, #tpu.memory_space<vmem_shared>> -> memref<24576xf32, #tpu.memory_space<vmem_shared>>
      %dma_wait3A_50 = tpu.memref_slice %arg2[%dma_wait3A_46, %mul3A_17] : memref<4x6291456xf32, #tpu.memory_space<hbm>> -> memref<1x24576xf32, #tpu.memory_space<hbm>>
      %dma_wait3A_51 = tpu.memref_squeeze %dma_wait3A_50 : memref<1x24576xf32, #tpu.memory_space<hbm>> -> memref<24576xf32, #tpu.memory_space<hbm>>
      tpu.wait_dma2 semaphore(%arg6 : memref<!tpu.dma_semaphore, #tpu.memory_space<semaphore_mem>>) src(%dma_wait3A_51 : memref<24576xf32, #tpu.memory_space<hbm>>) dst(%dma_wait3A_49 : memref<24576xf32, #tpu.memory_space<vmem_shared>>)
      %dma_wait3A_52 = arith.constant 2 : i32
      %dma_wait3A_53 = arith.constant 0 : i32
      %dma_wait3A_54 = tpu.memref_slice %arg5[%arg1, %scan3A_5, %dma_wait3A_53] : memref<16x4x24576xf32, #tpu.memory_space<vmem_shared>> -> memref<1x1x24576xf32, #tpu.memory_space<vmem_shared>>
      %dma_wait3A_55 = tpu.memref_squeeze %dma_wait3A_54 : memref<1x1x24576xf32, #tpu.memory_space<vmem_shared>> -> memref<24576xf32, #tpu.memory_space<vmem_shared>>
      %dma_wait3A_56 = tpu.memref_slice %arg2[%dma_wait3A_52, %mul3A_17] : memref<4x6291456xf32, #tpu.memory_space<hbm>> -> memref<1x24576xf32, #tpu.memory_space<hbm>>
      %dma_wait3A_57 = tpu.memref_squeeze %dma_wait3A_56 : memref<1x24576xf32, #tpu.memory_space<hbm>> -> memref<24576xf32, #tpu.memory_space<hbm>>
      tpu.wait_dma2 semaphore(%arg6 : memref<!tpu.dma_semaphore, #tpu.memory_space<semaphore_mem>>) src(%dma_wait3A_57 : memref<24576xf32, #tpu.memory_space<hbm>>) dst(%dma_wait3A_55 : memref<24576xf32, #tpu.memory_space<vmem_shared>>)
      %dma_wait3A_58 = arith.constant 3 : i32
      %dma_wait3A_59 = arith.constant 0 : i32
      %dma_wait3A_60 = tpu.memref_slice %arg5[%arg1, %scan3A_6, %dma_wait3A_59] : memref<16x4x24576xf32, #tpu.memory_space<vmem_shared>> -> memref<1x1x24576xf32, #tpu.memory_space<vmem_shared>>
      %dma_wait3A_61 = tpu.memref_squeeze %dma_wait3A_60 : memref<1x1x24576xf32, #tpu.memory_space<vmem_shared>> -> memref<24576xf32, #tpu.memory_space<vmem_shared>>
      %dma_wait3A_62 = tpu.memref_slice %arg2[%dma_wait3A_58, %mul3A_17] : memref<4x6291456xf32, #tpu.memory_space<hbm>> -> memref<1x24576xf32, #tpu.memory_space<hbm>>
      %dma_wait3A_63 = tpu.memref_squeeze %dma_wait3A_62 : memref<1x24576xf32, #tpu.memory_space<hbm>> -> memref<24576xf32, #tpu.memory_space<hbm>>
      tpu.wait_dma2 semaphore(%arg6 : memref<!tpu.dma_semaphore, #tpu.memory_space<semaphore_mem>>) src(%dma_wait3A_63 : memref<24576xf32, #tpu.memory_space<hbm>>) dst(%dma_wait3A_61 : memref<24576xf32, #tpu.memory_space<vmem_shared>>)
      %dma_start3A_64 = arith.constant 0 : i32
      %dma_start3A_65 = tpu.memref_slice %arg4[%dma_start3A_64, %mul3A_17] : memref<4x6291456xf32, #tpu.memory_space<hbm>> -> memref<1x24576xf32, #tpu.memory_space<hbm>>
      %dma_start3A_66 = tpu.memref_squeeze %dma_start3A_65 : memref<1x24576xf32, #tpu.memory_space<hbm>> -> memref<24576xf32, #tpu.memory_space<hbm>>
      %dma_start3A_67 = arith.constant 0 : i32
      %dma_start3A_68 = tpu.memref_slice %arg5[%arg1, %scan3A_3, %dma_start3A_67] : memref<16x4x24576xf32, #tpu.memory_space<vmem_shared>> -> memref<1x1x24576xf32, #tpu.memory_space<vmem_shared>>
      %dma_start3A_69 = tpu.memref_squeeze %dma_start3A_68 : memref<1x1x24576xf32, #tpu.memory_space<vmem_shared>> -> memref<24576xf32, #tpu.memory_space<vmem_shared>>
      tpu.enqueue_dma source(%dma_start3A_69 : memref<24576xf32, #tpu.memory_space<vmem_shared>>) target(%dma_start3A_66 : memref<24576xf32, #tpu.memory_space<hbm>>) target_semaphore(%arg7 : memref<!tpu.dma_semaphore, #tpu.memory_space<semaphore_mem>>)
      %dma_start3A_70 = arith.constant 1 : i32
      %dma_start3A_71 = tpu.memref_slice %arg4[%dma_start3A_70, %mul3A_17] : memref<4x6291456xf32, #tpu.memory_space<hbm>> -> memref<1x24576xf32, #tpu.memory_space<hbm>>
      %dma_start3A_72 = tpu.memref_squeeze %dma_start3A_71 : memref<1x24576xf32, #tpu.memory_space<hbm>> -> memref<24576xf32, #tpu.memory_space<hbm>>
      %dma_start3A_73 = arith.constant 0 : i32
      %dma_start3A_74 = tpu.memref_slice %arg5[%arg1, %scan3A_4, %dma_start3A_73] : memref<16x4x24576xf32, #tpu.memory_space<vmem_shared>> -> memref<1x1x24576xf32, #tpu.memory_space<vmem_shared>>
      %dma_start3A_75 = tpu.memref_squeeze %dma_start3A_74 : memref<1x1x24576xf32, #tpu.memory_space<vmem_shared>> -> memref<24576xf32, #tpu.memory_space<vmem_shared>>
      tpu.enqueue_dma source(%dma_start3A_75 : memref<24576xf32, #tpu.memory_space<vmem_shared>>) target(%dma_start3A_72 : memref<24576xf32, #tpu.memory_space<hbm>>) target_semaphore(%arg7 : memref<!tpu.dma_semaphore, #tpu.memory_space<semaphore_mem>>)
      %dma_start3A_76 = arith.constant 2 : i32
      %dma_start3A_77 = tpu.memref_slice %arg4[%dma_start3A_76, %mul3A_17] : memref<4x6291456xf32, #tpu.memory_space<hbm>> -> memref<1x24576xf32, #tpu.memory_space<hbm>>
      %dma_start3A_78 = tpu.memref_squeeze %dma_start3A_77 : memref<1x24576xf32, #tpu.memory_space<hbm>> -> memref<24576xf32, #tpu.memory_space<hbm>>
      %dma_start3A_79 = arith.constant 0 : i32
      %dma_start3A_80 = tpu.memref_slice %arg5[%arg1, %scan3A_5, %dma_start3A_79] : memref<16x4x24576xf32, #tpu.memory_space<vmem_shared>> -> memref<1x1x24576xf32, #tpu.memory_space<vmem_shared>>
      %dma_start3A_81 = tpu.memref_squeeze %dma_start3A_80 : memref<1x1x24576xf32, #tpu.memory_space<vmem_shared>> -> memref<24576xf32, #tpu.memory_space<vmem_shared>>
      tpu.enqueue_dma source(%dma_start3A_81 : memref<24576xf32, #tpu.memory_space<vmem_shared>>) target(%dma_start3A_78 : memref<24576xf32, #tpu.memory_space<hbm>>) target_semaphore(%arg7 : memref<!tpu.dma_semaphore, #tpu.memory_space<semaphore_mem>>)
      %dma_start3A_82 = arith.constant 3 : i32
      %dma_start3A_83 = tpu.memref_slice %arg4[%dma_start3A_82, %mul3A_17] : memref<4x6291456xf32, #tpu.memory_space<hbm>> -> memref<1x24576xf32, #tpu.memory_space<hbm>>
      %dma_start3A_84 = tpu.memref_squeeze %dma_start3A_83 : memref<1x24576xf32, #tpu.memory_space<hbm>> -> memref<24576xf32, #tpu.memory_space<hbm>>
      %dma_start3A_85 = arith.constant 0 : i32
      %dma_start3A_86 = tpu.memref_slice %arg5[%arg1, %scan3A_6, %dma_start3A_85] : memref<16x4x24576xf32, #tpu.memory_space<vmem_shared>> -> memref<1x1x24576xf32, #tpu.memory_space<vmem_shared>>
      %dma_start3A_87 = tpu.memref_squeeze %dma_start3A_86 : memref<1x1x24576xf32, #tpu.memory_space<vmem_shared>> -> memref<24576xf32, #tpu.memory_space<vmem_shared>>
      tpu.enqueue_dma source(%dma_start3A_87 : memref<24576xf32, #tpu.memory_space<vmem_shared>>) target(%dma_start3A_84 : memref<24576xf32, #tpu.memory_space<hbm>>) target_semaphore(%arg7 : memref<!tpu.dma_semaphore, #tpu.memory_space<semaphore_mem>>)
      %dma_wait3A_88 = arith.constant 0 : i32
      %dma_wait3A_89 = tpu.memref_slice %arg4[%dma_wait3A_88, %mul3A_17] : memref<4x6291456xf32, #tpu.memory_space<hbm>> -> memref<1x24576xf32, #tpu.memory_space<hbm>>
      %dma_wait3A_90 = tpu.memref_squeeze %dma_wait3A_89 : memref<1x24576xf32, #tpu.memory_space<hbm>> -> memref<24576xf32, #tpu.memory_space<hbm>>
      %dma_wait3A_91 = arith.constant 0 : i32
      %dma_wait3A_92 = tpu.memref_slice %arg5[%arg1, %scan3A_3, %dma_wait3A_91] : memref<16x4x24576xf32, #tpu.memory_space<vmem_shared>> -> memref<1x1x24576xf32, #tpu.memory_space<vmem_shared>>
      %dma_wait3A_93 = tpu.memref_squeeze %dma_wait3A_92 : memref<1x1x24576xf32, #tpu.memory_space<vmem_shared>> -> memref<24576xf32, #tpu.memory_space<vmem_shared>>
      tpu.wait_dma2 semaphore(%arg7 : memref<!tpu.dma_semaphore, #tpu.memory_space<semaphore_mem>>) src(%dma_wait3A_93 : memref<24576xf32, #tpu.memory_space<vmem_shared>>) dst(%dma_wait3A_90 : memref<24576xf32, #tpu.memory_space<hbm>>)
      %dma_wait3A_94 = arith.constant 1 : i32
      %dma_wait3A_95 = tpu.memref_slice %arg4[%dma_wait3A_94, %mul3A_17] : memref<4x6291456xf32, #tpu.memory_space<hbm>> -> memref<1x24576xf32, #tpu.memory_space<hbm>>
      %dma_wait3A_96 = tpu.memref_squeeze %dma_wait3A_95 : memref<1x24576xf32, #tpu.memory_space<hbm>> -> memref<24576xf32, #tpu.memory_space<hbm>>
      %dma_wait3A_97 = arith.constant 0 : i32
      %dma_wait3A_98 = tpu.memref_slice %arg5[%arg1, %scan3A_4, %dma_wait3A_97] : memref<16x4x24576xf32, #tpu.memory_space<vmem_shared>> -> memref<1x1x24576xf32, #tpu.memory_space<vmem_shared>>
      %dma_wait3A_99 = tpu.memref_squeeze %dma_wait3A_98 : memref<1x1x24576xf32, #tpu.memory_space<vmem_shared>> -> memref<24576xf32, #tpu.memory_space<vmem_shared>>
      tpu.wait_dma2 semaphore(%arg7 : memref<!tpu.dma_semaphore, #tpu.memory_space<semaphore_mem>>) src(%dma_wait3A_99 : memref<24576xf32, #tpu.memory_space<vmem_shared>>) dst(%dma_wait3A_96 : memref<24576xf32, #tpu.memory_space<hbm>>)
      %dma_wait3A_100 = arith.constant 2 : i32
      %dma_wait3A_101 = tpu.memref_slice %arg4[%dma_wait3A_100, %mul3A_17] : memref<4x6291456xf32, #tpu.memory_space<hbm>> -> memref<1x24576xf32, #tpu.memory_space<hbm>>
      %dma_wait3A_102 = tpu.memref_squeeze %dma_wait3A_101 : memref<1x24576xf32, #tpu.memory_space<hbm>> -> memref<24576xf32, #tpu.memory_space<hbm>>
      %dma_wait3A_103 = arith.constant 0 : i32
      %dma_wait3A_104 = tpu.memref_slice %arg5[%arg1, %scan3A_5, %dma_wait3A_103] : memref<16x4x24576xf32, #tpu.memory_space<vmem_shared>> -> memref<1x1x24576xf32, #tpu.memory_space<vmem_shared>>
      %dma_wait3A_105 = tpu.memref_squeeze %dma_wait3A_104 : memref<1x1x24576xf32, #tpu.memory_space<vmem_shared>> -> memref<24576xf32, #tpu.memory_space<vmem_shared>>
      tpu.wait_dma2 semaphore(%arg7 : memref<!tpu.dma_semaphore, #tpu.memory_space<semaphore_mem>>) src(%dma_wait3A_105 : memref<24576xf32, #tpu.memory_space<vmem_shared>>) dst(%dma_wait3A_102 : memref<24576xf32, #tpu.memory_space<hbm>>)
      %dma_wait3A_106 = arith.constant 3 : i32
      %dma_wait3A_107 = tpu.memref_slice %arg4[%dma_wait3A_106, %mul3A_17] : memref<4x6291456xf32, #tpu.memory_space<hbm>> -> memref<1x24576xf32, #tpu.memory_space<hbm>>
      %dma_wait3A_108 = tpu.memref_squeeze %dma_wait3A_107 : memref<1x24576xf32, #tpu.memory_space<hbm>> -> memref<24576xf32, #tpu.memory_space<hbm>>
      %dma_wait3A_109 = arith.constant 0 : i32
      %dma_wait3A_110 = tpu.memref_slice %arg5[%arg1, %scan3A_6, %dma_wait3A_109] : memref<16x4x24576xf32, #tpu.memory_space<vmem_shared>> -> memref<1x1x24576xf32, #tpu.memory_space<vmem_shared>>
      %dma_wait3A_111 = tpu.memref_squeeze %dma_wait3A_110 : memref<1x1x24576xf32, #tpu.memory_space<vmem_shared>> -> memref<24576xf32, #tpu.memory_space<vmem_shared>>
      tpu.wait_dma2 semaphore(%arg7 : memref<!tpu.dma_semaphore, #tpu.memory_space<semaphore_mem>>) src(%dma_wait3A_111 : memref<24576xf32, #tpu.memory_space<vmem_shared>>) dst(%dma_wait3A_108 : memref<24576xf32, #tpu.memory_space<hbm>>)
    }
    %scan3A_11 = arith.constant 8 : i32
    return
  }
}

</mosaic_0001>

<sc_bundles>
// kernel: kernel.3.cloned.1.call-start
scs
__scs_entry_jumppad:
0x0: {  	(pc) =	sbr.rel $0x88, $3  }
0x1: {  	(tag) =	ssettag $0x0;
	lr =	simm.s32 $0x1  }
0x2: {  	[smem:$0x3F9F] =	sst lr;
	_ =	strace $0xD0000000  }
0x3: {  	_ = 	snop  }
0x4: {  	_ = 	snop  }
0x5: {  	_ = 	snop  }
0x6: {  	_ = 	snop  }
0x7: {  	_ = 	snop  }
__scs_overlays_trampoline_lowered:
0x8: {  	[smem:$0x3FAE] =	sst s0  }
0x9: {  	[smem:$0x3FAF] =	sst s1  }
0xa: {  	[smem:$0x3FB0] =	sst s2  }
0xb: {  	[smem:$0x3FB1] =	sst s3  }
0xc: {  	[smem:$0x3FB2] =	sst s4  }
0xd: {  	[smem:$0x3FB3] =	sst s5  }
0xe: {  	[smem:$0x3FB4] =	sst s6  }
0xf: {  	[smem:$0x3FB5] =	sst s7  }
0x10: {  	[smem:$0x3FB6] =	sst s8  }
0x11: {  	[smem:$0x3FB7] =	sst s9;
	s0 =	simm.s32 @!p0 $0x0  }
0x12: {  	s1 =	sld [smem:$0x3F9D];
	s0 =	simm.s32 @p0 $0x1  }
0x13: {  	[smem:$0x3FB8] =	sst s0;
	s0 =	simm.s32 @!p1 $0x0  }
0x14: {  	s2 =	sld [smem:$0x3F9C];
	s0 =	simm.s32 @p1 $0x1  }
0x15: {  	[smem:$0x3FB9] =	sst s0;
	s0 =	simm.s32 @!p2 $0x0  }
0x16: {  	s3 =	sld [smem:$0x3FDB];
	s0 =	simm.s32 @p2 $0x1  }
0x17: {  	s4 =	simm.s32 $0x1BF5;
	[smem:$0x3FBB] =	sst s0  }
0x18: {  	s0 =	sld [smem:$0x3F9E];
	_ =	swait.ge [sflag:s4], $0x0  }
0x19: {  	s7 =	sld [smem:$0x3F9F]  }
0x1a: {  	s8 =	sadd.s32 $0xFFFFE003, lr  }
0x1b: {  	s9 =	sadd.s32 $0xFFFFFEF7, lr;
	s5 =	simm.s32 $0xFFFFFFFF;
	p2 =	slt.u32 s8, $0xFFFFF086  }
0x1c: {  	p1 =	slt.u32 s9, $0xF7A;
	s5 =	simm.s32 @!p2 $0x0  }
0x1d: {  	s5 =	simm.s32 @p1 $0x1;
	p0 =	seq.s32 s7, s2  }
0x1e: {  	s7 =	smul.u32 @!p0 $0xF7A, s2;
	p2 =	seq.s32 @!p0 s5, $0x0  }
0x1f: {  	s9 =	smul.u32 $0xF7A, s1;
	s8 =	simm.s32 @!p0 $0x1BF5;
	p2 =	por !p2, p0  }
0x20: {  	[sflag:s8] =	ssyncset.s32 @!p0 $0xFFFFF086;
	s6 =	sadd.s32 @!p0 s3, s7;
	s7 =	simm.s32 @!p0 $0x108  }
0x21: {  	s3 =	sadd.s32 s3, s9;
	s6 =	sadd.s32 @!p0 $0x88, s6;
	s7 =	simm.s32 @p2 $0x1082  }
0x22: {  	[simem:s7], [sflag:s8] =	dma.local @!p0 [hbm:s6], $0xF7A  }
0x23: {  	s9 =	sor.u32 $0xD0000000, s2;
	s6 =	simm.s32 $0x108;
	_ =	swait.ge @!p0 [sflag:s8], $0x0  }
0x24: {  	s3 =	sadd.s32 $0x88, s3;
	s6 =	simm.s32 @!p1 $0x1082;
	[sflag:s4] =	ssyncset.s32 $0xFFFFF086  }
0x25: {  	[simem:s6], [sflag:s4] =	dma.local [hbm:s3], $0xF7A  }
0x26: {  	[smem:$0x3F9F] =	sst s1;
	(tag) =	ssettag s2;
	_ =	strace s9  }
0x27: {  	s1 =	sld [smem:$0x3FAF]  }
0x28: {  	s2 =	sld [smem:$0x3FB0]  }
0x29: {  	s4 =	sld [smem:$0x3FB2]  }
0x2a: {  	p0 =	seq.s32 s5, $0x0;
	s5 =	sld [smem:$0x3FB3]  }
0x2b: {  	s6 =	sld [smem:$0x3FB4]  }
0x2c: {  	s7 =	sld [smem:$0x3FB5]  }
0x2d: {  	s3 =	simm.s32 $0x108;
	s8 =	sld [smem:$0x3FB6]  }
0x2e: {  	s3 =	simm.s32 @!p0 $0x1082;
	s9 =	sld [smem:$0x3FB7]  }
0x2f: {  	lr =	sadd.s32 s0, s3;
	s0 =	sld [smem:$0x3FAE]  }
0x30: {  	s3 =	sld [smem:$0x3FB1]  }
0x31: {  	[smem:$0x3FBA] =	sst s10  }
0x32: {  	s10 =	sld [smem:$0x3FB8];
	_ =	sdelay $0x3  }
0x33: {  	p0 =	seq.s32 s10, $0x1;
	s10 =	sld [smem:$0x3FBA];
	_ =	sdelay $0x3  }
0x34: {  	[smem:$0x3FBA] =	sst s10  }
0x35: {  	s10 =	sld [smem:$0x3FB9];
	_ =	sdelay $0x3  }
0x36: {  	p1 =	seq.s32 s10, $0x1;
	s10 =	sld [smem:$0x3FBA];
	_ =	sdelay $0x3  }
0x37: {  	[smem:$0x3FBA] =	sst s10  }
0x38: {  	s10 =	sld [smem:$0x3FBB]  }
0x39: {  	_ = 	snop;
	(pc) =	sbr.ind lr, $3  }
0x3a: {  	_ = 	snop  }
0x3b: {  	_ = 	snop  }
0x3c: {  	p2 =	seq.s32 s10, $0x1;
	s10 =	sld [smem:$0x3FBA]  }
0x3d: {  	_ =	shalt  }
0x3e: {  	_ =	shalt  }
0x3f: {  	_ =	shalt  }
0x40: {  	_ =	shalt  }
0x41: {  	_ =	shalt  }
0x42: {  	_ =	shalt  }
0x43: {  	_ =	shalt  }
0x44: {  	_ =	shalt  }
0x45: {  	_ =	shalt  }
0x46: {  	_ =	shalt  }
0x47: {  	_ =	shalt  }
0x48: {  	_ =	shalt  }
0x49: {  	_ =	shalt  }
0x4a: {  	_ =	shalt  }
0x4b: {  	_ =	shalt  }
0x4c: {  	_ =	shalt  }
0x4d: {  	_ =	shalt  }
0x4e: {  	_ =	shalt  }
0x4f: {  	_ =	shalt  }
0x50: {  	_ =	shalt  }
0x51: {  	_ =	shalt  }
0x52: {  	_ =	shalt  }
0x53: {  	_ =	shalt  }
0x54: {  	_ =	shalt  }
0x55: {  	_ =	shalt  }
0x56: {  	_ =	shalt  }
0x57: {  	_ =	shalt  }
0x58: {  	_ =	shalt  }
0x59: {  	_ =	shalt  }
0x5a: {  	_ =	shalt  }
0x5b: {  	_ =	shalt  }
0x5c: {  	_ =	shalt  }
0x5d: {  	_ =	shalt  }
0x5e: {  	_ =	shalt  }
0x5f: {  	_ =	shalt  }
0x60: {  	_ =	shalt  }
0x61: {  	_ =	shalt  }
0x62: {  	_ =	shalt  }
0x63: {  	_ =	shalt  }
0x64: {  	_ =	shalt  }
0x65: {  	_ =	shalt  }
0x66: {  	_ =	shalt  }
0x67: {  	_ =	shalt  }
0x68: {  	_ =	shalt  }
0x69: {  	_ =	shalt  }
0x6a: {  	_ =	shalt  }
0x6b: {  	_ =	shalt  }
0x6c: {  	_ =	shalt  }
0x6d: {  	_ =	shalt  }
0x6e: {  	_ =	shalt  }
0x6f: {  	_ =	shalt  }
0x70: {  	_ =	shalt  }
0x71: {  	_ =	shalt  }
0x72: {  	_ =	shalt  }
0x73: {  	_ =	shalt  }
0x74: {  	_ =	shalt  }
0x75: {  	_ =	shalt  }
0x76: {  	_ =	shalt  }
0x77: {  	_ =	shalt  }
0x78: {  	_ =	shalt  }
0x79: {  	_ =	shalt  }
0x7a: {  	_ =	shalt  }
0x7b: {  	_ =	shalt  }
0x7c: {  	_ =	shalt  }
0x7d: {  	_ =	shalt  }
0x7e: {  	_ =	shalt  }
0x7f: {  	_ =	shalt  }
0x80: {  	_ =	shalt  }
0x81: {  	_ =	shalt  }
0x82: {  	_ =	shalt  }
0x83: {  	_ =	shalt  }
0x84: {  	_ =	shalt  }
0x85: {  	_ =	shalt  }
0x86: {  	_ =	shalt  }
0x87: {  	_ =	shalt  }
.Lfunc_end0:
.L_simem_size_0:
called_computation.2_lowered:
.L_overlay_start_0:
0x88: {  	s2 =	sld [smem:$0x3FD9]  }
0x89: {  	s3 =	sld [smem:$0x3FFE];
	_ =	sdelay $0x1  }
0x8a: {  	s1 =	srdreg.scid  }
0x8b: {  	s0 =	sand.u32 $0x1, s1  }
0x8c: {  	s17 =	sshll.u32 s0, $0xA;
	s2 =	sadd.s32 s3, s2  }
0x8d: {  	s2 =	sadd.s32 s2, s17  }
0x8e: {  	[smem:$0x3FC6] =	sst s2  }
0x8f: {  	_ = 	snop  }
0x90: {  	s2 =	sld [smem:$0x3FD0];
	(tm) =	ssettm $0x1  }
0x91: {  	s18 =	sld [smem:$0x3FFB];
	_ =	sdelay $0x3  }
0x92: {  	_ =	strace s18  }
0x93: {  	s3 =	sld [smem:$0x3FFC];
	_ =	sdelay $0x3  }
0x94: {  	_ =	strace s3  }
0x95: {  	s3 =	sld [smem:$0x3FFD];
	_ =	sdelay $0x3  }
0x96: {  	_ =	strace s3  }
0x97: {  	_ =	strace $0x8FFFFFFF  }
0x98: {  	s19 =	sld [smem:$0x3FDB];
	_ =	sdelay $0x1  }
0x99: {  	s4 =	simm.s32 $_scs_section_size  }
0x9a: {  	s5 =	simm.s32 $_size__tile_overlayer_lowered;
	s6 =	simm.s32 $_tile_overlayer_lowered  }
0x9b: {  	s22 =	simm.s32 $0x1BFF;
	s21 =	sshll.u32 s6, $0x1;
	s3 =	sadd.s32 s4, s19  }
0x9c: {  	s7 =	simm.s32 $0x0;
	s20 =	sshll.u32 s5, $0x1;
	s5 =	sadd.s32 s21, s3  }
0x9d: {  	[timem:s7], [sflag:s22] =	dma.local [hbm:s5], s20  }
0x9e: {  	_ =	swait.ge [sflag:s22], s20  }
0x9f: {  	s4 =	ssub.s32 $0x0, s20;
	[sflag:s22] =	ssyncset.done $0x0  }
0xa0: {  	[sflag:s22] =	ssyncadd.s32 s4;
	_ =	sdelay $0x1  }
0xa1: {  	s23 =	simm.s32 $0x1B8B  }
0xa2: {  	_ =	swait.ge [sflag:s23], $0x1  }
0xa3: {  	[sflag:s23] =	ssyncset.done $0x0  }
0xa4: {  	s25 =	simm.s32 $0x1B8E;
	s24 =	sld [smem:$0x3FFE];
	[sflag:s23] =	ssyncadd.s32 $0xFFFFFFFF  }
0xa5: {  	s26 =	simm.s32 $execute0_lowered;
	[smem:$0x3FD2] =	sst s25  }
0xa6: {  	s5 =	sshll.u32 s26, $0x1;
	_ =	strace $0x80000049;
	[dreg:$0x1] =	wrdreg $0xFFFFFFFF  }
0xa7: {  	s28 =	simm.s32 $_size_execute0_lowered;
	s3 =	sadd.s32 s3, s5;
	[dreg:$0x0] =	wrdreg $0x0  }
0xa8: {  	s5 =	sshll.u32 s28, $0x1;
	[dreg:$0x2] =	wrdreg s3  }
0xa9: {  	[dreg:$0x3] =	wrdreg s5  }
0xaa: {  	[dreg:$0x4] =	wrdreg $0xC0  }
0xab: {  	_ =	task [dreg:s7], $0x5FFFF  }
0xac: {  	[dreg:$0x1] =	wrdreg $0xFFFFFFFF  }
0xad: {  	[dreg:$0x0] =	wrdreg $0x60  }
0xae: {  	[dreg:$0x2] =	wrdreg s2  }
0xaf: {  	[dreg:$0x3] =	wrdreg s24  }
0xb0: {  	[dreg:$0x4] =	wrdreg $0x0  }
0xb1: {  	[dreg:$0x5] =	wrdreg $0x9  }
0xb2: {  	_ =	task.clear_ibuf [dreg:s7], $0x6FFFF;
	_ =	strace $0x90000049  }
0xb3: {  	s29 =	simm.s32 $0x9;
	_ =	strace $0x8000004B  }
0xb4: {  	_ =	swait.ge [sflag:s29], $0x1  }
0xb5: {  	[sflag:s29] =	ssyncadd.s32 $0xFFFFFFFF  }
0xb6: {  	_ =	strace $0x9000004B  }
0xb7: {  	_ =	sfence  }
0xb8: {  	s30 =	sld [smem:$0x0];
	_ =	sdelay $0x2  }
0xb9: {  	s31 =	sshll.u32 s1, $0xD;
	s1 =	sshrl.u32 s1, $0x2  }
0xba: {  	s3 =	sand.u32 $0x4000, s31;
	s1 =	sadd.s32 s1, s30  }
0xbb: {  	s0 =	sor.u32 s3, s0;
	s1 =	sshll.u32 s1, $0x11  }
0xbc: {  	s0 =	sor.u32 s1, s0  }
0xbd: {  	s0 =	sadd.s32 $0x8F2B, s0  }
0xbe: {  	[sflag:s0] =	ssyncadd.remote.s32 $0x1  }
0xbf: {  	_ =	sfence.sel $0xFFFF  }
0xc0: {  	[dreg:$0x0] =	wrdreg $0xFFFFFFFF;
	(pc) =	sbr.abs _section_cstart, $3  }
0xc1: {  	[dreg:$0x1] =	wrdreg $0xFFFFFFFF  }
0xc2: {  	_ =	task.clear_ibuf [dreg:s7], $0x2FFFF;
	_ =	strace $0x9FFFFFFF  }
0xc3: {  	(tm) =	ssettm $0x7FFFFFFF  }
tec
execute0_lowered:
.L_overlay_start_1:
0x0: {  	(tag) =	ssettag $0x1  }
0x1: {  	s4 =	rddreg [dreg:$0x0]  }
0x2: {  	s3 =	rddreg [dreg:$0x1]  }
0x3: {  	s5 =	rddreg [dreg:$0x2]  }
0x4: {  	s0 =	rddreg [dreg:$0x3]  }
0x5: {  	s1 =	stileid.u32;
	s2 =	simm.s32 $0x0;
	s7 =	srdreg.scid  }
0x6: {  	s6 =	smul.u32 $0x30000, s1;
	[smem:$0x7FF] =	sst s2;
	s7 =	sand.u32 $0x1, s7  }
0x7: {  	s8 =	smul.u32 $0x60000, s1;
	s14 =	sshll.u32 s1, $0x6;
	_ =	strace $0x8000004A  }
0x8: {  	s9 =	ssub.s32 $0x2, s7;
	s30 =	smul.u32 $0x18000, s7;
	s10 =	sadd.s32 s6, s3  }
0x9: {  	s29 =	sshrl.u32 s9, $0x1;
	s8 =	sshrl.u32 s8, $0x2;
	s4 =	sadd.s32 s6, s4  }
0xa: {  	s6 =	sor.u32 $0x1C01, s14;
	s3 =	ssub.s32 s9, s29;
	s8 =	sadd.s32 s8, s5  }
0xb: {  	s31 =	sadd.s32 s30, s10;
	s4 =	sadd.s32 s30, s4;
	s9 =	simm.s32 $0x40  }
0xc: {  	s11 =	sadd.s32 $0x80, s8;
	s12 =	sadd.s32 $0x100, s8;
	s13 =	sadd.s32 $0x180, s8  }
0xd: {  	s3 =	smax.u32 s3, $0x1;
	s5 =	sadd.s32 $0xC0E00, s31;
	s7 =	sshrl.u32 s8, $0x3  }
0xe: {  	s8 =	simm.s32 $0x1;
	s10 =	sshrl.u32 s11, $0x3;
	s11 =	sshrl.u32 s12, $0x3  }
0xf: {  	s12 =	sshrl.u32 s13, $0x3;
	s13 =	sor.u32 $0x1C02, s14;
	s14 =	simm.s32 $0x2  }
.LBB2_1:
0x10: {  	s15 =	sadd.s32 $0x0, s4  }
0x11: {  	s16 =	sadd.s32 $0x10, s15;
	s17 =	sadd.s32 $0x20, s15;
	s18 =	sadd.s32 $0x30, s15  }
0x12: {  	[spmem:s7@s9], [sflag:s6] =	dma.strided [hbm:s15@s9], $0xC00, s8, $0x10   }
0x13: {  	[spmem:s10@s9], [sflag:s6] =	dma.strided [hbm:s16@s9], $0xC00, s8, $0x10   }
0x14: {  	[spmem:s11@s9], [sflag:s6] =	dma.strided [hbm:s17@s9], $0xC00, s8, $0x10   }
0x15: {  	[spmem:s12@s9], [sflag:s6] =	dma.strided [hbm:s18@s9], $0xC00, s8, $0x10   }
0x16: {  	_ =	swait.ge [sflag:s8], $0xC00  }
0x17: {  	[sflag:s8] =	ssyncset.done $0x0  }
0x18: {  	[sflag:s8] =	ssyncadd.s32 $0xFFFFF400  }
0x19: {  	_ =	swait.ge [sflag:s8], $0xC00  }
0x1a: {  	[sflag:s8] =	ssyncset.done $0x0  }
0x1b: {  	[sflag:s8] =	ssyncadd.s32 $0xFFFFF400  }
0x1c: {  	_ =	swait.ge [sflag:s8], $0xC00  }
0x1d: {  	[sflag:s8] =	ssyncset.done $0x0  }
0x1e: {  	[sflag:s8] =	ssyncadd.s32 $0xFFFFF400  }
0x1f: {  	s28 =	sadd.s32 $0x0, s5;
	_ =	swait.ge [sflag:s8], $0xC00  }
0x20: {  	s29 =	sadd.s32 $0x10, s28;
	[sflag:s8] =	ssyncset.done $0x0  }
0x21: {  	s30 =	sadd.s32 $0x20, s28;
	s31 =	sadd.s32 $0x30, s28;
	[sflag:s8] =	ssyncadd.s32 $0xFFFFF400  }
0x22: {  	[hbm:s28@s9], [sflag:s13] =	dma.strided [spmem:s7@s9], $0xC00, s8, $0x10   }
0x23: {  	[hbm:s29@s9], [sflag:s13] =	dma.strided [spmem:s10@s9], $0xC00, s8, $0x10   }
0x24: {  	[hbm:s30@s9], [sflag:s13] =	dma.strided [spmem:s11@s9], $0xC00, s8, $0x10   }
0x25: {  	[hbm:s31@s9], [sflag:s13] =	dma.strided [spmem:s12@s9], $0xC00, s8, $0x10   }
0x26: {  	_ =	swait.ge [sflag:s14], $0xC00  }
0x27: {  	[sflag:s14] =	ssyncset.done $0x0  }
0x28: {  	[sflag:s14] =	ssyncadd.s32 $0xFFFFF400  }
0x29: {  	_ =	swait.ge [sflag:s14], $0xC00  }
0x2a: {  	[sflag:s14] =	ssyncset.done $0x0  }
0x2b: {  	[sflag:s14] =	ssyncadd.s32 $0xFFFFF400  }
0x2c: {  	_ =	swait.ge [sflag:s14], $0xC00  }
0x2d: {  	s15 =	simm.s32 $0x3000;
	s17 =	simm.s32 $0x6000;
	[sflag:s14] =	ssyncset.done $0x0  }
.LBB2_2:
0x2e: {  	s18 =	sadd.s32 s15, s4  }
0x2f: {  	[sflag:s14] =	ssyncadd.s32 $0xFFFFF400;
	s19 =	smov.u32 s17;
	s16 =	sadd.s32 $0x3000, s17  }
0x30: {  	s20 =	sadd.s32 $0x10, s18;
	s21 =	sadd.s32 $0x20, s18;
	_ =	swait.ge [sflag:s14], $0xC00  }
0x31: {  	p0 =	sne.s32 s17, $0x15000;
	s17 =	sadd.s32 $0x30, s18;
	[sflag:s14] =	ssyncset.done $0x0  }
0x32: {  	[sflag:s14] =	ssyncadd.s32 $0xFFFFF400  }
0x33: {  	[spmem:s7@s9], [sflag:s6] =	dma.strided [hbm:s18@s9], $0xC00, s8, $0x10   }
0x34: {  	[spmem:s10@s9], [sflag:s6] =	dma.strided [hbm:s20@s9], $0xC00, s8, $0x10   }
0x35: {  	[spmem:s11@s9], [sflag:s6] =	dma.strided [hbm:s21@s9], $0xC00, s8, $0x10   }
0x36: {  	[spmem:s12@s9], [sflag:s6] =	dma.strided [hbm:s17@s9], $0xC00, s8, $0x10   }
0x37: {  	_ =	swait.ge [sflag:s8], $0xC00  }
0x38: {  	[sflag:s8] =	ssyncset.done $0x0  }
0x39: {  	[sflag:s8] =	ssyncadd.s32 $0xFFFFF400  }
0x3a: {  	_ =	swait.ge [sflag:s8], $0xC00  }
0x3b: {  	[sflag:s8] =	ssyncset.done $0x0  }
0x3c: {  	[sflag:s8] =	ssyncadd.s32 $0xFFFFF400  }
0x3d: {  	_ =	swait.ge [sflag:s8], $0xC00  }
0x3e: {  	[sflag:s8] =	ssyncset.done $0x0  }
0x3f: {  	[sflag:s8] =	ssyncadd.s32 $0xFFFFF400  }
0x40: {  	s17 =	sadd.s32 s15, s5;
	s15 =	smov.u32 s19;
	_ =	swait.ge [sflag:s8], $0xC00  }
0x41: {  	s18 =	sadd.s32 $0x10, s17;
	s19 =	sadd.s32 $0x20, s17;
	[sflag:s8] =	ssyncset.done $0x0  }
0x42: {  	s20 =	sadd.s32 $0x30, s17;
	[sflag:s8] =	ssyncadd.s32 $0xFFFFF400  }
0x43: {  	[hbm:s17@s9], [sflag:s13] =	dma.strided [spmem:s7@s9], $0xC00, s8, $0x10   }
0x44: {  	[hbm:s18@s9], [sflag:s13] =	dma.strided [spmem:s10@s9], $0xC00, s8, $0x10   }
0x45: {  	[hbm:s19@s9], [sflag:s13] =	dma.strided [spmem:s11@s9], $0xC00, s8, $0x10   }
0x46: {  	[hbm:s20@s9], [sflag:s13] =	dma.strided [spmem:s12@s9], $0xC00, s8, $0x10   }
0x47: {  	_ =	swait.ge [sflag:s14], $0xC00  }
0x48: {  	[sflag:s14] =	ssyncset.done $0x0  }
0x49: {  	[sflag:s14] =	ssyncadd.s32 $0xFFFFF400  }
.Ltmp0:
0x4a: {  	_ =	swait.ge [sflag:s14], $0xC00;
	(pc) =	sbr.rel @p0 .LBB2_2-.Ltmp0, $4  }
0x4b: {  	[sflag:s14] =	ssyncset.done $0x0  }
0x4c: {  	[sflag:s14] =	ssyncadd.s32 $0xFFFFF400  }
0x4d: {  	_ =	swait.ge [sflag:s14], $0xC00  }
0x4e: {  	s17 =	smov.u32 s16;
	[sflag:s14] =	ssyncset.done $0x0  }
0x4f: {  	[sflag:s14] =	ssyncadd.s32 $0xFFFFF400  }
0x50: {  	s16 =	sadd.s32 s15, s4;
	_ =	swait.ge [sflag:s14], $0xC00  }
0x51: {  	s17 =	sadd.s32 $0x10, s16;
	[sflag:s14] =	ssyncset.done $0x0  }
0x52: {  	s18 =	sadd.s32 $0x20, s16;
	s19 =	sadd.s32 $0x30, s16;
	[sflag:s14] =	ssyncadd.s32 $0xFFFFF400  }
0x53: {  	[spmem:s7@s9], [sflag:s6] =	dma.strided [hbm:s16@s9], $0xC00, s8, $0x10   }
0x54: {  	[spmem:s10@s9], [sflag:s6] =	dma.strided [hbm:s17@s9], $0xC00, s8, $0x10   }
0x55: {  	[spmem:s11@s9], [sflag:s6] =	dma.strided [hbm:s18@s9], $0xC00, s8, $0x10   }
0x56: {  	[spmem:s12@s9], [sflag:s6] =	dma.strided [hbm:s19@s9], $0xC00, s8, $0x10   }
0x57: {  	_ =	swait.ge [sflag:s8], $0xC00  }
0x58: {  	[sflag:s8] =	ssyncset.done $0x0  }
0x59: {  	[sflag:s8] =	ssyncadd.s32 $0xFFFFF400  }
0x5a: {  	_ =	swait.ge [sflag:s8], $0xC00  }
0x5b: {  	[sflag:s8] =	ssyncset.done $0x0  }
0x5c: {  	[sflag:s8] =	ssyncadd.s32 $0xFFFFF400  }
0x5d: {  	_ =	swait.ge [sflag:s8], $0xC00  }
0x5e: {  	[sflag:s8] =	ssyncset.done $0x0  }
0x5f: {  	[sflag:s8] =	ssyncadd.s32 $0xFFFFF400  }
0x60: {  	s28 =	sadd.s32 s15, s5;
	_ =	swait.ge [sflag:s8], $0xC00  }
0x61: {  	s29 =	sadd.s32 $0x10, s28;
	[sflag:s8] =	ssyncset.done $0x0  }
0x62: {  	s30 =	sadd.s32 $0x20, s28;
	s31 =	sadd.s32 $0x30, s28;
	[sflag:s8] =	ssyncadd.s32 $0xFFFFF400  }
0x63: {  	[hbm:s28@s9], [sflag:s13] =	dma.strided [spmem:s7@s9], $0xC00, s8, $0x10   }
0x64: {  	[hbm:s29@s9], [sflag:s13] =	dma.strided [spmem:s10@s9], $0xC00, s8, $0x10   }
0x65: {  	[hbm:s30@s9], [sflag:s13] =	dma.strided [spmem:s11@s9], $0xC00, s8, $0x10   }
0x66: {  	[hbm:s31@s9], [sflag:s13] =	dma.strided [spmem:s12@s9], $0xC00, s8, $0x10   }
0x67: {  	_ =	swait.ge [sflag:s14], $0xC00  }
0x68: {  	[sflag:s14] =	ssyncset.done $0x0  }
0x69: {  	[sflag:s14] =	ssyncadd.s32 $0xFFFFF400  }
0x6a: {  	_ =	swait.ge [sflag:s14], $0xC00  }
0x6b: {  	[sflag:s14] =	ssyncset.done $0x0  }
0x6c: {  	s2 =	sadd.s32 $0x1, s2;
	[sflag:s14] =	ssyncadd.s32 $0xFFFFF400  }
0x6d: {  	p0 =	sne.s32 s2, s3;
	_ =	swait.ge [sflag:s14], $0xC00  }
.Ltmp1:
0x6e: {  	[sflag:s14] =	ssyncset.done $0x0;
	(pc) =	sbr.rel @p0 .LBB2_1-.Ltmp1, $4  }
0x6f: {  	[sflag:s14] =	ssyncadd.s32 $0xFFFFF400  }
0x70: {  	_ =	swait.ge [sflag:s14], $0xC00  }
0x71: {  	[sflag:s14] =	ssyncset.done $0x0  }
0x72: {  	[sflag:s14] =	ssyncadd.s32 $0xFFFFF400  }
0x73: {  	_ =	sfence.sel $0x180000  }
0x74: {  	[bflag:$0x0] =	sbarrier.arrive $0xFFFF  }
0x75: {  	p0 =	sne.s32 s1, $0x0;
	_ =	strace $0x9000004A  }
0x76: {  	s0 =	sadd.s32 @!p0 $0x100000, s0;
	[bflag:$0x2] =	sbarrier.arrive $0xFFFF  }
0x77: {  	[sflag:s0] =	ssyncadd.tile.s32 @!p0 $0x1;
	_ =	shalt  }
.Lfunc_end2:
_tile_overlayer_lowered:
.L_overlay_start_2:
0x78: {  	(tag) =	ssettag $0x2  }
0x79: {  	s0 =	rddreg [dreg:$0x0];
	s2 =	stileid.u32  }
0x7a: {  	s1 =	rddreg [dreg:$0x1];
	p0 =	sne.s32 s2, $0x0  }
0x7b: {  	s3 =	rddreg [dreg:$0x2];
	[bflag:$0x3] =	sbarrier.arrive $0xFFFF;
	s2 =	simm.s32 @!p0 $0x1C03  }
0x7c: {  	[timem:s3], [sflag:s2] =	dma.local @!p0 [hbm:s0], s1  }
0x7d: {  	s0 =	simm.s32 @!p0 $0x3  }
0x7e: {  	_ =	swait.ge @!p0 [sflag:s0], s1  }
0x7f: {  	s1 =	ssub.s32 @!p0 $0x0, s1;
	[sflag:s0] =	ssyncset.done @!p0 $0x0  }
0x80: {  	[sflag:s0] =	ssyncadd.s32 @!p0 s1  }
0x81: {  	[bflag:$0x3] =	sbarrier.arrive $0xFFFF  }
0x82: {  	_ =	shalt  }

// kernel: sparse-core-data-format-call.1.cloned.1.call-start
scs
called_computation.1_lowered:
.L_overlay_start_0:
0x0: {  	s2 =	sld [smem:$0x3FD9]  }
0x1: {  	s3 =	sld [smem:$0x3FFE];
	_ =	sdelay $0x1  }
0x2: {  	s1 =	srdreg.scid  }
0x3: {  	s0 =	sand.u32 $0x1, s1  }
0x4: {  	s19 =	sshll.u32 s0, $0xA;
	s2 =	sadd.s32 s3, s2  }
0x5: {  	s2 =	sadd.s32 s2, s19  }
0x6: {  	[smem:$0x3FC6] =	sst s2  }
0x7: {  	_ = 	snop  }
0x8: {  	s2 =	sld [smem:$0x3FC9]  }
0x9: {  	s20 =	sld [smem:$0x3FD0];
	(tm) =	ssettm $0x1  }
0xa: {  	s4 =	sld [smem:$0x3FFB];
	_ =	sdelay $0x3  }
0xb: {  	_ =	strace s4  }
0xc: {  	s4 =	sld [smem:$0x3FFC];
	_ =	sdelay $0x3  }
0xd: {  	_ =	strace s4  }
0xe: {  	s4 =	sld [smem:$0x3FFD];
	_ =	sdelay $0x3  }
0xf: {  	_ =	strace s4  }
0x10: {  	_ =	strace $0x8FFFFFFF  }
0x11: {  	s21 =	sld [smem:$0x3FDB];
	_ =	sdelay $0x1  }
0x12: {  	s5 =	simm.s32 $_scs_section_size  }
0x13: {  	s6 =	simm.s32 $_size__tile_overlayer_lowered;
	s7 =	simm.s32 $_tile_overlayer_lowered  }
0x14: {  	s24 =	simm.s32 $0x1BFF;
	s23 =	sshll.u32 s7, $0x1;
	s4 =	sadd.s32 s5, s21  }
0x15: {  	s8 =	simm.s32 $0x0;
	s22 =	sshll.u32 s6, $0x1;
	s6 =	sadd.s32 s23, s4  }
0x16: {  	[timem:s8], [sflag:s24] =	dma.local [hbm:s6], s22  }
0x17: {  	_ =	swait.ge [sflag:s24], s22  }
0x18: {  	s5 =	ssub.s32 $0x0, s22;
	[sflag:s24] =	ssyncset.done $0x0  }
0x19: {  	[sflag:s24] =	ssyncadd.s32 s5;
	_ =	sdelay $0x1  }
0x1a: {  	s25 =	simm.s32 $0x1B8B  }
0x1b: {  	_ =	swait.ge [sflag:s25], $0x1  }
0x1c: {  	[sflag:s25] =	ssyncset.done $0x0  }
0x1d: {  	s26 =	simm.s32 $0x1B8E;
	[sflag:s25] =	ssyncadd.s32 $0xFFFFFFFF  }
0x1e: {  	s27 =	simm.s32 $execute0_lowered;
	[smem:$0x3FD2] =	sst s26  }
0x1f: {  	s5 =	sshll.u32 s27, $0x1;
	_ =	strace $0x80000046;
	[dreg:$0x1] =	wrdreg $0xFFFFFFFF  }
0x20: {  	s28 =	simm.s32 $_size_execute0_lowered;
	s4 =	sadd.s32 s4, s5;
	[dreg:$0x0] =	wrdreg $0x0  }
0x21: {  	s5 =	sshll.u32 s28, $0x1;
	[dreg:$0x2] =	wrdreg s4  }
0x22: {  	[dreg:$0x3] =	wrdreg s5  }
0x23: {  	[dreg:$0x4] =	wrdreg $0xC0  }
0x24: {  	_ =	task [dreg:s8], $0x5FFFF  }
0x25: {  	[dreg:$0x1] =	wrdreg $0xFFFFFFFF  }
0x26: {  	[dreg:$0x0] =	wrdreg $0x60  }
0x27: {  	[dreg:$0x2] =	wrdreg s2  }
0x28: {  	[dreg:$0x3] =	wrdreg s20  }
0x29: {  	[dreg:$0x4] =	wrdreg $0x9  }
0x2a: {  	_ =	task.clear_ibuf [dreg:s8], $0x5FFFF;
	_ =	strace $0x90000046  }
0x2b: {  	s29 =	simm.s32 $0x9;
	_ =	strace $0x80000048  }
0x2c: {  	_ =	swait.ge [sflag:s29], $0x1  }
0x2d: {  	[sflag:s29] =	ssyncadd.s32 $0xFFFFFFFF  }
0x2e: {  	_ =	strace $0x90000048  }
0x2f: {  	_ =	sfence  }
0x30: {  	s30 =	sld [smem:$0x0];
	_ =	sdelay $0x2  }
0x31: {  	s31 =	sshll.u32 s1, $0xD;
	s1 =	sshrl.u32 s1, $0x2  }
0x32: {  	s3 =	sand.u32 $0x4000, s31;
	s1 =	sadd.s32 s1, s30  }
0x33: {  	s0 =	sor.u32 s3, s0;
	s1 =	sshll.u32 s1, $0x11  }
0x34: {  	s0 =	sor.u32 s1, s0  }
0x35: {  	s0 =	sadd.s32 $0x8F2B, s0  }
0x36: {  	[sflag:s0] =	ssyncadd.remote.s32 $0x1  }
0x37: {  	_ =	sfence.sel $0xFFFF  }
0x38: {  	[dreg:$0x0] =	wrdreg $0xFFFFFFFF;
	(pc) =	sbr.abs _section_cstart, $3  }
0x39: {  	[dreg:$0x1] =	wrdreg $0xFFFFFFFF  }
0x3a: {  	_ =	task.clear_ibuf [dreg:s8], $0x2FFFF;
	_ =	strace $0x9FFFFFFF  }
0x3b: {  	(tm) =	ssettm $0x7FFFFFFF  }
tec
execute0_lowered:
.L_overlay_start_1:
0x0: {  	(tag) =	ssettag $0x1  }
0x1: {  	s0 =	stileid.u32;
	s1 =	srdreg.scid  }
0x2: {  	s2 =	sshll.u32 s0, $0x5;
	s1 =	sshll.u32 s1, $0x9  }
0x3: {  	s3 =	rddreg [dreg:$0x0];
	s5 =	simm.s32 $0x1;
	s1 =	sor.u32 s2, s1  }
0x4: {  	s8 =	simm.s32 $0x2;
	s16 =	simm.s32 $0x0;
	s2 =	sand.u32 $0x380, s1  }
0x5: {  	s9 =	simm.s32 $0xC00;
	s10 =	simm.s32 $0x0;
	s1 =	ssub.s32 $0x2000, s2  }
0x6: {  	s15 =	simm.s32 $0x0;
	s17 =	simm.s32 $0x0;
	s4 =	sand.u32 $0x380, s1  }
0x7: {  	s11 =	simm.s32 $0x0;
	s6 =	sshrl.u32 s1, $0xA;
	p0 =	sne.s32 s4, $0x0  }
.Ltmp0:
0x8: {  	s1 =	rddreg [dreg:$0x2];
	s5 =	simm.s32 @!p0 $0x0;
	(pc) =	sbr.rel .LBB1_1-.Ltmp0, $4  }
0x9: {  	s7 =	sand.u32 $0x3, s0;
	s4 =	rddreg [dreg:$0x1];
	s6 =	sadd.s32 s5, s6  }
0xa: {  	_ =	strace $0x80000047;
	s5 =	simm.s32 $0x1;
	s6 =	smul.u32 $0x6, s6  }
0xb: {  	s14 =	simm.s32 $0x0;
	s13 =	smov.u32 s7;
	[sflag:s5] =	ssyncpa.u1 $0x0  }
0xc: {  	s12 =	smov.u32 s2;
	[sflag:s8] =	ssyncpa.u1 $0x0;
	s8 =	sor.u32 $0x1, s6  }
.LBB1_4:
0xd: {  	_ =	sdelay $0x2  }
0xe: {  	s21 =	sshrl.u32 s17, $0x2  }
0xf: {  	[tilespmem:v0+s20+$0xFFFFFFA0 ss:$0x1] =	vst.idx.msk $0xffff, v7;
	s22 =	sshll.u32 s16, $0x2;
	s21 =	smul.u32 $0xC00, s21  }
0x10: {  	v56 =	vld.idx.msk [tilespmem:v1+s19+$0x30 ss:$0x1], $0xffff;
	[tilespmem:v0+s20+$0xFFFFFFB0 ss:$0x1] =	vst.idx.msk $0xffff, v5;
	s27 =	sshll.u32 s17, $0x7;
	s22 =	sand.u32 $0xFFFFFE00, s22  }
0x11: {  	v57 =	vld.idx.msk [tilespmem:v1+s19+$0xFFFFFFC0 ss:$0x1], $0xffff;
	[tilespmem:v0+s20+$0xFFFFFFC0 ss:$0x1] =	vst.idx.msk $0xffff, v4;
	s17 =	sand.u32 $0x180, s27;
	s21 =	sadd.s32 s21, s22  }
0x12: {  	v58 =	vld.idx.msk [tilespmem:v1+s19+$0xFFFFFFD0 ss:$0x1], $0xffff;
	[tilespmem:v0+s20+$0xFFFFFFD0 ss:$0x1] =	vst.idx.msk $0xffff, v2;
	s28 =	sand.u32 $0x7F, s16;
	s17 =	sor.u32 s17, s21  }
0x13: {  	v59 =	vld.idx.msk [tilespmem:v1+s19+$0xFFFFFFE0 ss:$0x1], $0xffff;
	[tilespmem:v0+s20+$0xFFFFFFE0 ss:$0x1] =	vst.idx.msk $0xffff, v3;
	s16 =	sor.u32 s28, s17  }
0x14: {  	v60 =	vld.idx.msk [tilespmem:v1+s19+$0xFFFFFFF0 ss:$0x1], $0xffff;
	[tilespmem:v0+s20+$0xFFFFFFF0 ss:$0x1] =	vst.idx.msk $0xffff, v6;
	s29 =	smulhi.u32 $0xAAAAAAAB, s16  }
0x15: {  	v61 =	vld.idx.msk [tilespmem:v1+s19+$0x0 ss:$0x1], $0xffff;
	[tilespmem:v0+s19+$0x0 ss:$0x1] =	vst.idx.msk $0xffff, v56;
	s17 =	smulhi.u32 $0xAAAAAAAB, s17  }
0x16: {  	v62 =	vld.idx.msk [tilespmem:v1+s19+$0x10 ss:$0x1], $0xffff;
	[tilespmem:v0+s19+$0xFFFFFF90 ss:$0x1] =	vst.idx.msk $0xffff, v57;
	s20 =	sshrl.u32 s29, $0x9  }
0x17: {  	v63 =	vld.idx.msk [tilespmem:v1+s19+$0x20 ss:$0x1], $0xffff;
	[tilespmem:v0+s19+$0xFFFFFFA0 ss:$0x1] =	vst.idx.msk $0xffff, v58;
	s17 =	sshrl.u32 s17, $0x9;
	s20 =	smul.u32 $0x300, s20  }
0x18: {  	s15 =	smul.u32 $0x180, s15;
	[tilespmem:v0+s19+$0xFFFFFFB0 ss:$0x1] =	vst.idx.msk $0xffff, v59;
	s17 =	sand.u32 $0x3, s17  }
0x19: {  	[tilespmem:v0+s19+$0xFFFFFFC0 ss:$0x1] =	vst.idx.msk $0xffff, v60;
	s17 =	smul.u32 $0x60, s17;
	s16 =	ssub.s32 s16, s20  }
0x1a: {  	s15 =	sadd.s32 s4, s15;
	[tilespmem:v0+s19+$0xFFFFFFD0 ss:$0x1] =	vst.idx.msk $0xffff, v61;
	s20 =	sand.u32 $0x7, s16  }
0x1b: {  	[tilespmem:v0+s19+$0xFFFFFFE0 ss:$0x1] =	vst.idx.msk $0xffff, v62;
	s15 =	sadd.s32 s17, s15;
	s16 =	sshrl.u32 s16, $0x3;
	s30 =	sshll.u32 s20, $0x12  }
0x1c: {  	[tilespmem:v0+s19+$0xFFFFFFF0 ss:$0x1] =	vst.idx.msk $0xffff, v63;
	s15 =	sadd.s32 s16, s15;
	s31 =	sor.u32 $0x80, s30  }
0x1d: {  	[hbm4b:s15+s31] =	stream.strided.scatter [tilespmem:s18], [sflag:$0x2], $0x4000, s9, s31, $0x38;
	[tilespmem:$0x10000] =	vst v63  }
.LBB1_5:
0x1e: {  	s18 =	sadd.s32 $0x80, s11  }
0x1f: {  	s15 =	sadd.s32 $0x400, s12;
	s19 =	smov.u32 s12;
	p1 =	sgt.s32 s18, $0x2FF  }
0x20: {  	s19 =	smov.u32 @p1 s15  }
0x21: {  	s21 =	smov.u32 s13;
	s15 =	sadd.s32 $0x4, s13;
	p2 =	sgt.s32 s19, $0x1FFF  }
0x22: {  	s21 =	smov.u32 @p2 s15  }
0x23: {  	s18 =	simm.s32 @p1 $0x0;
	p1 =	sgt.s32 s21, $0x3  }
0x24: {  	p0 =	slt.u32 s14, $0x2;
	s21 =	smov.u32 @p1 s7;
	p1 =	sne.s32 s14, s8  }
.Ltmp1:
0x25: {  	s20 =	simm.s32 @!p0 $0x2;
	(pc) =	sbr.rel @!p1 .LBB1_6-.Ltmp1, $4  }
0x26: {  	s16 =	smov.u32 s11;
	s17 =	smov.u32 s13;
	_ =	swait.ge @!p0 [sflag:s20], $0x4000  }
0x27: {  	s10 =	sadd.s32 $0x4000, s10;
	[sflag:s20] =	ssyncset.done @!p0 $0x0;
	s11 =	smov.u32 s18  }
0x28: {  	s19 =	smov.u32 @p2 s2;
	s15 =	smov.u32 s12;
	[sflag:s20] =	ssyncadd.s32 @!p0 $0xFFFFC000  }
0x29: {  	s12 =	smov.u32 s19;
	s14 =	sadd.s32 $0x1, s14;
	s13 =	smov.u32 s21  }
.LBB1_1:
0x2a: {  	p0 =	sge.u32 s14, s6  }
0x2b: {  	s18 =	sshrl.u32 @!p0 s12, $0x3  }
0x2c: {  	s19 =	sshll.u32 @!p0 s11, $0x3;
	s18 =	smul.u32 @!p0 $0x1800, s18  }
0x2d: {  	s20 =	sshll.u32 @!p0 s12, $0x7;
	s19 =	sand.u32 @!p0 $0xFFFFFC00, s19  }
0x2e: {  	s18 =	sadd.s32 @!p0 s18, s19;
	s19 =	sand.u32 @!p0 $0x380, s20  }
0x2f: {  	s20 =	sand.u32 @!p0 $0x7F, s11;
	s18 =	sor.u32 @!p0 s19, s18  }
0x30: {  	s19 =	sor.u32 @!p0 s20, s18  }
0x31: {  	s20 =	smulhi.u32 @!p0 $0xAAAAAAAB, s19  }
0x32: {  	s18 =	smulhi.u32 @!p0 $0xAAAAAAAB, s18  }
0x33: {  	s20 =	sshrl.u32 @!p0 s20, $0x9  }
0x34: {  	s31 =	sadd.s32 $0xFFFFFFFF, s14;
	s18 =	sshrl.u32 @!p0 s18, $0x9;
	s20 =	smul.u32 @!p0 $0x300, s20  }
0x35: {  	s21 =	sxor.u32 @!p0 $0xFFFFFFFF, s14;
	s22 =	smul.u32 @!p0 $0xC0000, s13;
	s18 =	sand.u32 @!p0 $0x1FFF, s18  }
0x36: {  	s21 =	sshll.u32 @!p0 s21, $0xE;
	s18 =	smul.u32 @!p0 $0x60, s18;
	s19 =	ssub.s32 @!p0 s19, s20  }
0x37: {  	s20 =	sand.u32 @!p0 $0x4000, s21;
	s21 =	sadd.s32 @!p0 s3, s22;
	s22 =	sand.u32 @!p0 $0x7, s19  }
0x38: {  	s19 =	sshrl.u32 @!p0 s19, $0x3;
	s18 =	sadd.s32 @!p0 s18, s21;
	s21 =	sshll.u32 @!p0 s22, $0x12  }
0x39: {  	s18 =	sadd.s32 @!p0 s19, s18;
	s19 =	sor.u32 @!p0 $0x400, s21;
	s21 =	simm.s32 @!p0 $0x1800  }
0x3a: {  	[tilespmem:s20], [sflag:$0x1] =	stream.strided.gather @!p0 [hbm4b:s18+s19], $0x4000, s21, s19, $0x38;
	[tilespmem:$0x10000] =	vst v63  }
0x3b: {  	p0 =	sge.u32 s31, s6  }
.Ltmp2:
0x3c: {  	_ = 	snop;
	(pc) =	sbr.rel @p0 .LBB1_5-.Ltmp2, $1  }
0x3d: {  	_ =	sdelay $0x3  }
0x3e: {  	s18 =	sand.u32 $0x4000, s10  }
0x3f: {  	s19 =	sor.u32 $0x40, s18  }
0x40: {  	v1 =	vmov s19;
	_ =	sdelay $0x1  }
0x41: {  	_ =	swait.ge [sflag:s5], $0x4000  }
0x42: {  	[sflag:s5] =	ssyncset.done $0x0  }
0x43: {  	s20 =	simm.s32 $0x0;
	[sflag:s5] =	ssyncadd.s32 $0xFFFFC000  }
0x44: {  	s18 =	sor.u32 $0x8070, s18;
	v6 =	vld.idx.msk [tilespmem:v1+s20+$0x30 ss:$0x1], $0xffff  }
0x45: {  	v0 =	vmov s18;
	v8 =	vld.idx.msk [tilespmem:v1+s20+$0xFFFFFFC0 ss:$0x1], $0xffff  }
0x46: {  	v7 =	vld.idx.msk [tilespmem:v1+s20+$0xFFFFFFD0 ss:$0x1], $0xffff  }
0x47: {  	v5 =	vld.idx.msk [tilespmem:v1+s20+$0xFFFFFFE0 ss:$0x1], $0xffff  }
0x48: {  	v4 =	vld.idx.msk [tilespmem:v1+s20+$0xFFFFFFF0 ss:$0x1], $0xffff  }
0x49: {  	s31 =	sshll.u32 s14, $0xE;
	v2 =	vld.idx.msk [tilespmem:v1+s20+$0x0 ss:$0x1], $0xffff  }
0x4a: {  	s18 =	sand.u32 $0x4000, s31;
	v3 =	vld.idx.msk [tilespmem:v1+s20+$0x10 ss:$0x1], $0xffff;
	[tilespmem:v0+s20+$0x0 ss:$0x1] =	vst.idx.msk $0xffff, v6  }
0x4b: {  	s21 =	simm.s32 $0x400;
	s19 =	simm.s32 $0x80;
	s18 =	sor.u32 $0x8000, s18;
	[tilespmem:v0+s20+$0xFFFFFF90 ss:$0x1] =	vst.idx.msk $0xffff, v8;
	v6 =	vld.idx.msk [tilespmem:v1+s20+$0x20 ss:$0x1], $0xffff  }
.LBB1_3:
0x4c: {  	p0 =	sne.s32 s21, $0xFE00;
	v8 =	vld.idx.msk [tilespmem:v1+s19+$0x30 ss:$0x1], $0xffff;
	[tilespmem:v0+s20+$0xFFFFFFA0 ss:$0x1] =	vst.idx.msk $0xffff, v7  }
0x4d: {  	v9 =	vld.idx.msk [tilespmem:v1+s19+$0xFFFFFFC0 ss:$0x1], $0xffff;
	[tilespmem:v0+s20+$0xFFFFFFB0 ss:$0x1] =	vst.idx.msk $0xffff, v5  }
0x4e: {  	v7 =	vld.idx.msk [tilespmem:v1+s19+$0xFFFFFFD0 ss:$0x1], $0xffff;
	[tilespmem:v0+s20+$0xFFFFFFC0 ss:$0x1] =	vst.idx.msk $0xffff, v4  }
.Ltmp3:
0x4f: {  	v5 =	vld.idx.msk [tilespmem:v1+s19+$0xFFFFFFE0 ss:$0x1], $0xffff;
	[tilespmem:v0+s20+$0xFFFFFFD0 ss:$0x1] =	vst.idx.msk $0xffff, v2;
	(pc) =	sbr.rel @p0 .LBB1_3-.Ltmp3, $4  }
0x50: {  	v4 =	vld.idx.msk [tilespmem:v1+s19+$0xFFFFFFF0 ss:$0x1], $0xffff;
	[tilespmem:v0+s20+$0xFFFFFFE0 ss:$0x1] =	vst.idx.msk $0xffff, v3  }
0x51: {  	v2 =	vld.idx.msk [tilespmem:v1+s19+$0x0 ss:$0x1], $0xffff;
	[tilespmem:v0+s20+$0xFFFFFFF0 ss:$0x1] =	vst.idx.msk $0xffff, v6;
	s20 =	smov.u32 s19  }
0x52: {  	v3 =	vld.idx.msk [tilespmem:v1+s20+$0x10 ss:$0x1], $0xffff;
	[tilespmem:v0+s20+$0x0 ss:$0x1] =	vst.idx.msk $0xffff, v8  }
0x53: {  	s19 =	sshra.s32 s21, $0x2;
	s21 =	sadd.s32 $0x200, s21;
	[tilespmem:v0+s20+$0xFFFFFF90 ss:$0x1] =	vst.idx.msk $0xffff, v9;
	v6 =	vld.idx.msk [tilespmem:v1+s20+$0x20 ss:$0x1], $0xffff  }
.Ltmp4:
0x54: {  	_ = 	snop;
	(pc) =	sbr.rel .LBB1_4-.Ltmp4, $1  }
0x55: {  	_ =	sdelay $0x3  }
.LBB1_6:
0x56: {  	_ =	sfence.sel $0x180000  }
0x57: {  	s2 =	simm.s32 $0x1;
	[bflag:$0x0] =	sbarrier.arrive $0xFFFF  }
0x58: {  	s31 =	simm.s32 $0x2;
	[sflag:s2] =	ssyncpa.u1 $0x1  }
0x59: {  	[sflag:s31] =	ssyncpa.u1 $0x1  }
0x5a: {  	p0 =	sne.s32 s0, $0x0;
	_ =	strace $0x90000047  }
0x5b: {  	s0 =	sadd.s32 @!p0 $0x100000, s1;
	[bflag:$0x2] =	sbarrier.arrive $0xFFFF  }
0x5c: {  	[sflag:s0] =	ssyncadd.tile.s32 @!p0 $0x1;
	_ =	shalt  }
.Lfunc_end1:
_tile_overlayer_lowered:
.L_overlay_start_2:
0x5d: {  	(tag) =	ssettag $0x2  }
0x5e: {  	s0 =	rddreg [dreg:$0x0];
	s2 =	stileid.u32  }
0x5f: {  	s1 =	rddreg [dreg:$0x1];
	p0 =	sne.s32 s2, $0x0  }
0x60: {  	s3 =	rddreg [dreg:$0x2];
	[bflag:$0x3] =	sbarrier.arrive $0xFFFF;
	s2 =	simm.s32 @!p0 $0x1C01  }
0x61: {  	[timem:s3], [sflag:s2] =	dma.local @!p0 [hbm:s0], s1  }
0x62: {  	s0 =	simm.s32 @!p0 $0x1  }
0x63: {  	_ =	swait.ge @!p0 [sflag:s0], s1  }
0x64: {  	s1 =	ssub.s32 @!p0 $0x0, s1;
	[sflag:s0] =	ssyncset.done @!p0 $0x0  }
0x65: {  	[sflag:s0] =	ssyncadd.s32 @!p0 s1  }
0x66: {  	[bflag:$0x3] =	sbarrier.arrive $0xFFFF  }
0x67: {  	_ =	shalt  }

// kernel: sparse-core-data-format-call.cloned.1.call-start
scs
called_computation_lowered:
.L_overlay_start_0:
0x0: {  	s2 =	sld [smem:$0x3FD9]  }
0x1: {  	s3 =	sld [smem:$0x3FFE];
	_ =	sdelay $0x1  }
0x2: {  	s1 =	srdreg.scid  }
0x3: {  	s0 =	sand.u32 $0x1, s1  }
0x4: {  	s18 =	sshll.u32 s0, $0xA;
	s2 =	sadd.s32 s3, s2  }
0x5: {  	s2 =	sadd.s32 s2, s18  }
0x6: {  	[smem:$0x3FC6] =	sst s2  }
0x7: {  	_ = 	snop  }
0x8: {  	s2 =	sld [smem:$0x3FD0];
	(tm) =	ssettm $0x1  }
0x9: {  	s19 =	sld [smem:$0x3FFB];
	_ =	sdelay $0x3  }
0xa: {  	_ =	strace s19  }
0xb: {  	s3 =	sld [smem:$0x3FFC];
	_ =	sdelay $0x3  }
0xc: {  	_ =	strace s3  }
0xd: {  	s3 =	sld [smem:$0x3FFD];
	_ =	sdelay $0x3  }
0xe: {  	_ =	strace s3  }
0xf: {  	_ =	strace $0x8FFFFFFF  }
0x10: {  	s20 =	sld [smem:$0x3FDB];
	_ =	sdelay $0x1  }
0x11: {  	s4 =	simm.s32 $_scs_section_size  }
0x12: {  	s5 =	simm.s32 $_size__tile_overlayer_lowered;
	s6 =	simm.s32 $_tile_overlayer_lowered  }
0x13: {  	s23 =	simm.s32 $0x1BFF;
	s22 =	sshll.u32 s6, $0x1;
	s3 =	sadd.s32 s4, s20  }
0x14: {  	s7 =	simm.s32 $0x0;
	s21 =	sshll.u32 s5, $0x1;
	s5 =	sadd.s32 s22, s3  }
0x15: {  	[timem:s7], [sflag:s23] =	dma.local [hbm:s5], s21  }
0x16: {  	_ =	swait.ge [sflag:s23], s21  }
0x17: {  	s4 =	ssub.s32 $0x0, s21;
	[sflag:s23] =	ssyncset.done $0x0  }
0x18: {  	[sflag:s23] =	ssyncadd.s32 s4;
	_ =	sdelay $0x1  }
0x19: {  	s24 =	simm.s32 $0x1B8B  }
0x1a: {  	_ =	swait.ge [sflag:s24], $0x1  }
0x1b: {  	[sflag:s24] =	ssyncset.done $0x0  }
0x1c: {  	s26 =	simm.s32 $0x1B8E;
	s25 =	sld [smem:$0x3FFE];
	[sflag:s24] =	ssyncadd.s32 $0xFFFFFFFF  }
0x1d: {  	s27 =	simm.s32 $execute0_lowered;
	[smem:$0x3FD2] =	sst s26  }
0x1e: {  	s5 =	sshll.u32 s27, $0x1;
	_ =	strace $0x8000004C;
	[dreg:$0x1] =	wrdreg $0xFFFFFFFF  }
0x1f: {  	s28 =	simm.s32 $_size_execute0_lowered;
	s3 =	sadd.s32 s3, s5;
	[dreg:$0x0] =	wrdreg $0x0  }
0x20: {  	s5 =	sshll.u32 s28, $0x1;
	[dreg:$0x2] =	wrdreg s3  }
0x21: {  	[dreg:$0x3] =	wrdreg s5  }
0x22: {  	[dreg:$0x4] =	wrdreg $0xC0  }
0x23: {  	_ =	task [dreg:s7], $0x5FFFF  }
0x24: {  	[dreg:$0x1] =	wrdreg $0xFFFFFFFF  }
0x25: {  	[dreg:$0x0] =	wrdreg $0x60  }
0x26: {  	[dreg:$0x2] =	wrdreg s25  }
0x27: {  	[dreg:$0x3] =	wrdreg s2  }
0x28: {  	[dreg:$0x4] =	wrdreg $0x9  }
0x29: {  	_ =	task.clear_ibuf [dreg:s7], $0x5FFFF;
	_ =	strace $0x9000004C  }
0x2a: {  	s29 =	simm.s32 $0x9;
	_ =	strace $0x8000004E  }
0x2b: {  	_ =	swait.ge [sflag:s29], $0x1  }
0x2c: {  	[sflag:s29] =	ssyncadd.s32 $0xFFFFFFFF  }
0x2d: {  	_ =	strace $0x9000004E  }
0x2e: {  	_ =	sfence  }
0x2f: {  	s30 =	sld [smem:$0x0];
	_ =	sdelay $0x2  }
0x30: {  	s31 =	sshll.u32 s1, $0xD;
	s1 =	sshrl.u32 s1, $0x2  }
0x31: {  	s3 =	sand.u32 $0x4000, s31;
	s1 =	sadd.s32 s1, s30  }
0x32: {  	s0 =	sor.u32 s3, s0;
	s1 =	sshll.u32 s1, $0x11  }
0x33: {  	s0 =	sor.u32 s1, s0  }
0x34: {  	s0 =	sadd.s32 $0x8F2B, s0  }
0x35: {  	[sflag:s0] =	ssyncadd.remote.s32 $0x1  }
0x36: {  	_ =	sfence.sel $0xFFFF  }
0x37: {  	[dreg:$0x0] =	wrdreg $0xFFFFFFFF;
	(pc) =	sbr.abs _section_cstart, $3  }
0x38: {  	[dreg:$0x1] =	wrdreg $0xFFFFFFFF  }
0x39: {  	_ =	task.clear_ibuf [dreg:s7], $0x2FFFF;
	_ =	strace $0x9FFFFFFF  }
0x3a: {  	(tm) =	ssettm $0x7FFFFFFF  }
0x3b: {  	_ =	shalt  }
tec
execute0_lowered:
.L_overlay_start_1:
0x0: {  	(tag) =	ssettag $0x1  }
0x1: {  	s0 =	srdreg.scid  }
0x2: {  	s1 =	sshll.u32 s0, $0x4  }
0x3: {  	s6 =	rddreg [dreg:$0x0];
	s0 =	stileid.u32;
	s1 =	sand.u32 $0x10, s1  }
0x4: {  	s3 =	rddreg [dreg:$0x1];
	s1 =	sor.u32 s0, s1  }
0x5: {  	s5 =	simm.s32 $0x1;
	s31 =	simm.s32 $0x2;
	s2 =	sshll.u32 s1, $0x7  }
0x6: {  	s15 =	simm.s32 $0x0;
	s8 =	simm.s32 $0x1800;
	s4 =	ssub.s32 $0x2000, s2  }
0x7: {  	s9 =	simm.s32 $0x0;
	s14 =	simm.s32 $0x0;
	s30 =	sand.u32 $0xF80, s4  }
0x8: {  	s16 =	simm.s32 $0x0;
	s10 =	simm.s32 $0x0;
	p0 =	sne.s32 s30, $0x0  }
.Ltmp0:
0x9: {  	s7 =	sshrl.u32 s4, $0xC;
	s5 =	simm.s32 @!p0 $0x0;
	(pc) =	sbr.rel .LBB1_1-.Ltmp0, $4  }
0xa: {  	s11 =	simm.s32 $0x0;
	s1 =	rddreg [dreg:$0x2];
	s5 =	sadd.s32 s5, s7  }
0xb: {  	_ =	strace $0x8000004D;
	s4 =	simm.s32 $0x1;
	s5 =	smul.u32 $0x18, s5  }
0xc: {  	s13 =	simm.s32 $0x0;
	s6 =	sadd.s32 $0xC0E00, s6;
	[sflag:s4] =	ssyncpa.u1 $0x0  }
0xd: {  	s12 =	smov.u32 s2;
	[sflag:s31] =	ssyncpa.u1 $0x0;
	s7 =	sor.u32 $0x1, s5  }
.LBB1_4:
0xe: {  	_ =	sdelay $0x2  }
0xf: {  	s20 =	sshrl.u32 s16, $0x3  }
0x10: {  	[tilespmem:v0+s19+$0xFFFFFFD0 ss:$0x1] =	vst.idx.msk $0xffff, v7;
	s21 =	sshll.u32 s15, $0x3;
	s20 =	smul.u32 $0x1800, s20  }
0x11: {  	v56 =	vld.idx.msk [tilespmem:v1+s18+$0x0 ss:$0x1], $0xffff;
	[tilespmem:v0+s19+$0xFFFFFFE0 ss:$0x1] =	vst.idx.msk $0xffff, v5;
	s27 =	sshll.u32 s16, $0x7;
	s21 =	sand.u32 $0xFFFFFC00, s21  }
0x12: {  	v57 =	vld.idx.msk [tilespmem:v1+s18+$0xFFFFFF90 ss:$0x1], $0xffff;
	[tilespmem:v0+s19+$0xFFFFFFF0 ss:$0x1] =	vst.idx.msk $0xffff, v4;
	s16 =	sand.u32 $0x380, s27;
	s20 =	sadd.s32 s20, s21  }
0x13: {  	v58 =	vld.idx.msk [tilespmem:v1+s18+$0xFFFFFFA0 ss:$0x1], $0xffff;
	[tilespmem:v0+s19+$0x0 ss:$0x1] =	vst.idx.msk $0xffff, v2;
	s28 =	sand.u32 $0x7F, s15;
	s16 =	sor.u32 s16, s20  }
0x14: {  	v59 =	vld.idx.msk [tilespmem:v1+s18+$0xFFFFFFB0 ss:$0x1], $0xffff;
	[tilespmem:v0+s19+$0x10 ss:$0x1] =	vst.idx.msk $0xffff, v3;
	s15 =	sor.u32 s28, s16  }
0x15: {  	v60 =	vld.idx.msk [tilespmem:v1+s18+$0xFFFFFFC0 ss:$0x1], $0xffff;
	[tilespmem:v0+s19+$0x20 ss:$0x1] =	vst.idx.msk $0xffff, v6;
	s29 =	smulhi.u32 $0xAAAAAAAB, s15  }
0x16: {  	v61 =	vld.idx.msk [tilespmem:v1+s18+$0xFFFFFFD0 ss:$0x1], $0xffff;
	[tilespmem:v0+s18+$0x30 ss:$0x1] =	vst.idx.msk $0xffff, v56;
	s16 =	smulhi.u32 $0xAAAAAAAB, s16  }
0x17: {  	v62 =	vld.idx.msk [tilespmem:v1+s18+$0xFFFFFFE0 ss:$0x1], $0xffff;
	[tilespmem:v0+s18+$0xFFFFFFC0 ss:$0x1] =	vst.idx.msk $0xffff, v57;
	s19 =	sshrl.u32 s29, $0x9  }
0x18: {  	v63 =	vld.idx.msk [tilespmem:v1+s18+$0xFFFFFFF0 ss:$0x1], $0xffff;
	[tilespmem:v0+s18+$0xFFFFFFD0 ss:$0x1] =	vst.idx.msk $0xffff, v58;
	s16 =	sshrl.u32 s16, $0x9;
	s19 =	smul.u32 $0x300, s19  }
0x19: {  	s14 =	smul.u32 $0xC0000, s14;
	[tilespmem:v0+s18+$0xFFFFFFE0 ss:$0x1] =	vst.idx.msk $0xffff, v59;
	s16 =	sand.u32 $0x1FFF, s16  }
0x1a: {  	[tilespmem:v0+s18+$0xFFFFFFF0 ss:$0x1] =	vst.idx.msk $0xffff, v60;
	s16 =	smul.u32 $0x60, s16;
	s15 =	ssub.s32 s15, s19  }
0x1b: {  	s14 =	sadd.s32 s3, s14;
	[tilespmem:v0+s18+$0x0 ss:$0x1] =	vst.idx.msk $0xffff, v61;
	s19 =	sand.u32 $0x7, s15  }
0x1c: {  	[tilespmem:v0+s18+$0x10 ss:$0x1] =	vst.idx.msk $0xffff, v62;
	s14 =	sadd.s32 s16, s14;
	s15 =	sshrl.u32 s15, $0x3;
	s30 =	sshll.u32 s19, $0x12  }
0x1d: {  	[tilespmem:v0+s18+$0x20 ss:$0x1] =	vst.idx.msk $0xffff, v63;
	s14 =	sadd.s32 s15, s14;
	s31 =	sor.u32 $0x400, s30  }
0x1e: {  	[hbm4b:s14+s31] =	stream.strided.scatter [tilespmem:s17], [sflag:$0x2], $0x4000, s8, s31, $0x38;
	[tilespmem:$0x10000] =	vst v63  }
.LBB1_5:
0x1f: {  	s17 =	sadd.s32 $0x80, s10  }
0x20: {  	s14 =	simm.s32 $0x1;
	p1 =	sgt.s32 s17, $0x2FF  }
0x21: {  	s14 =	simm.s32 @!p1 $0x0  }
0x22: {  	s18 =	sadd.s32 s14, s11  }
0x23: {  	s20 =	smov.u32 s12;
	s14 =	sadd.s32 $0x1000, s12;
	p2 =	sgt.s32 s18, $0x3  }
0x24: {  	s20 =	smov.u32 @p2 s14  }
0x25: {  	s17 =	simm.s32 @p1 $0x0;
	p1 =	sgt.s32 s20, $0x1FFF  }
0x26: {  	p0 =	slt.u32 s13, $0x2;
	s20 =	smov.u32 @p1 s2;
	p1 =	sne.s32 s13, s7  }
.Ltmp1:
0x27: {  	s19 =	simm.s32 @!p0 $0x2;
	(pc) =	sbr.rel @!p1 .LBB1_6-.Ltmp1, $4  }
0x28: {  	s15 =	smov.u32 s10;
	s16 =	smov.u32 s12;
	_ =	swait.ge @!p0 [sflag:s19], $0x4000  }
0x29: {  	s9 =	sadd.s32 $0x4000, s9;
	[sflag:s19] =	ssyncset.done @!p0 $0x0;
	s10 =	smov.u32 s17  }
0x2a: {  	[sflag:s19] =	ssyncadd.s32 @!p0 $0xFFFFC000;
	s18 =	simm.s32 @p2 $0x0;
	s14 =	smov.u32 s11  }
0x2b: {  	s11 =	smov.u32 s18;
	s13 =	sadd.s32 $0x1, s13;
	s12 =	smov.u32 s20  }
.LBB1_1:
0x2c: {  	p0 =	sge.u32 s13, s5  }
0x2d: {  	s17 =	sshrl.u32 @!p0 s11, $0x2  }
0x2e: {  	s18 =	sshll.u32 @!p0 s10, $0x2;
	s17 =	smul.u32 @!p0 $0xC00, s17  }
0x2f: {  	s19 =	sshll.u32 @!p0 s11, $0x7;
	s18 =	sand.u32 @!p0 $0xFFFFFE00, s18  }
0x30: {  	s17 =	sadd.s32 @!p0 s17, s18;
	s18 =	sand.u32 @!p0 $0x180, s19  }
0x31: {  	s19 =	sand.u32 @!p0 $0x7F, s10;
	s17 =	sor.u32 @!p0 s18, s17  }
0x32: {  	s18 =	sor.u32 @!p0 s19, s17  }
0x33: {  	s19 =	smulhi.u32 @!p0 $0xAAAAAAAB, s18  }
0x34: {  	s17 =	smulhi.u32 @!p0 $0xAAAAAAAB, s17  }
0x35: {  	s19 =	sshrl.u32 @!p0 s19, $0x9  }
0x36: {  	s31 =	sadd.s32 $0xFFFFFFFF, s13;
	s17 =	sshrl.u32 @!p0 s17, $0x9;
	s19 =	smul.u32 @!p0 $0x300, s19  }
0x37: {  	s20 =	sxor.u32 @!p0 $0xFFFFFFFF, s13;
	s21 =	smul.u32 @!p0 $0x180, s12;
	s17 =	sand.u32 @!p0 $0x3, s17  }
0x38: {  	s20 =	sshll.u32 @!p0 s20, $0xE;
	s17 =	smul.u32 @!p0 $0x60, s17;
	s18 =	ssub.s32 @!p0 s18, s19  }
0x39: {  	s19 =	sand.u32 @!p0 $0x4000, s20;
	s20 =	sadd.s32 @!p0 s6, s21;
	s21 =	sand.u32 @!p0 $0x7, s18  }
0x3a: {  	s18 =	sshrl.u32 @!p0 s18, $0x3;
	s17 =	sadd.s32 @!p0 s17, s20;
	s20 =	sshll.u32 @!p0 s21, $0x12  }
0x3b: {  	s17 =	sadd.s32 @!p0 s18, s17;
	s18 =	sor.u32 @!p0 $0x80, s20;
	s20 =	simm.s32 @!p0 $0xC00  }
0x3c: {  	[tilespmem:s19], [sflag:$0x1] =	stream.strided.gather @!p0 [hbm4b:s17+s18], $0x4000, s20, s18, $0x38;
	[tilespmem:$0x10000] =	vst v63  }
0x3d: {  	p0 =	sge.u32 s31, s5  }
.Ltmp2:
0x3e: {  	_ = 	snop;
	(pc) =	sbr.rel @p0 .LBB1_5-.Ltmp2, $1  }
0x3f: {  	_ =	sdelay $0x3  }
0x40: {  	s17 =	sand.u32 $0x4000, s9  }
0x41: {  	s18 =	sor.u32 $0x70, s17  }
0x42: {  	v1 =	vmov s18;
	_ =	sdelay $0x1  }
0x43: {  	_ =	swait.ge [sflag:s4], $0x4000  }
0x44: {  	[sflag:s4] =	ssyncset.done $0x0  }
0x45: {  	s19 =	simm.s32 $0x0;
	[sflag:s4] =	ssyncadd.s32 $0xFFFFC000  }
0x46: {  	s17 =	sor.u32 $0x8040, s17;
	v6 =	vld.idx.msk [tilespmem:v1+s19+$0x0 ss:$0x1], $0xffff  }
0x47: {  	v0 =	vmov s17;
	v8 =	vld.idx.msk [tilespmem:v1+s19+$0xFFFFFF90 ss:$0x1], $0xffff  }
0x48: {  	v7 =	vld.idx.msk [tilespmem:v1+s19+$0xFFFFFFA0 ss:$0x1], $0xffff  }
0x49: {  	v5 =	vld.idx.msk [tilespmem:v1+s19+$0xFFFFFFB0 ss:$0x1], $0xffff  }
0x4a: {  	v4 =	vld.idx.msk [tilespmem:v1+s19+$0xFFFFFFC0 ss:$0x1], $0xffff  }
0x4b: {  	s31 =	sshll.u32 s13, $0xE;
	v2 =	vld.idx.msk [tilespmem:v1+s19+$0xFFFFFFD0 ss:$0x1], $0xffff  }
0x4c: {  	s17 =	sand.u32 $0x4000, s31;
	v3 =	vld.idx.msk [tilespmem:v1+s19+$0xFFFFFFE0 ss:$0x1], $0xffff;
	[tilespmem:v0+s19+$0x30 ss:$0x1] =	vst.idx.msk $0xffff, v6  }
0x4d: {  	s20 =	simm.s32 $0x400;
	s18 =	simm.s32 $0x80;
	s17 =	sor.u32 $0x8000, s17;
	[tilespmem:v0+s19+$0xFFFFFFC0 ss:$0x1] =	vst.idx.msk $0xffff, v8;
	v6 =	vld.idx.msk [tilespmem:v1+s19+$0xFFFFFFF0 ss:$0x1], $0xffff  }
.LBB1_3:
0x4e: {  	p0 =	sne.s32 s20, $0xFE00;
	v8 =	vld.idx.msk [tilespmem:v1+s18+$0x0 ss:$0x1], $0xffff;
	[tilespmem:v0+s19+$0xFFFFFFD0 ss:$0x1] =	vst.idx.msk $0xffff, v7  }
0x4f: {  	v9 =	vld.idx.msk [tilespmem:v1+s18+$0xFFFFFF90 ss:$0x1], $0xffff;
	[tilespmem:v0+s19+$0xFFFFFFE0 ss:$0x1] =	vst.idx.msk $0xffff, v5  }
0x50: {  	v7 =	vld.idx.msk [tilespmem:v1+s18+$0xFFFFFFA0 ss:$0x1], $0xffff;
	[tilespmem:v0+s19+$0xFFFFFFF0 ss:$0x1] =	vst.idx.msk $0xffff, v4  }
.Ltmp3:
0x51: {  	v5 =	vld.idx.msk [tilespmem:v1+s18+$0xFFFFFFB0 ss:$0x1], $0xffff;
	[tilespmem:v0+s19+$0x0 ss:$0x1] =	vst.idx.msk $0xffff, v2;
	(pc) =	sbr.rel @p0 .LBB1_3-.Ltmp3, $4  }
0x52: {  	v4 =	vld.idx.msk [tilespmem:v1+s18+$0xFFFFFFC0 ss:$0x1], $0xffff;
	[tilespmem:v0+s19+$0x10 ss:$0x1] =	vst.idx.msk $0xffff, v3  }
0x53: {  	v2 =	vld.idx.msk [tilespmem:v1+s18+$0xFFFFFFD0 ss:$0x1], $0xffff;
	[tilespmem:v0+s19+$0x20 ss:$0x1] =	vst.idx.msk $0xffff, v6;
	s19 =	smov.u32 s18  }
0x54: {  	v3 =	vld.idx.msk [tilespmem:v1+s19+$0xFFFFFFE0 ss:$0x1], $0xffff;
	[tilespmem:v0+s19+$0x30 ss:$0x1] =	vst.idx.msk $0xffff, v8  }
0x55: {  	s18 =	sshra.s32 s20, $0x2;
	s20 =	sadd.s32 $0x200, s20;
	[tilespmem:v0+s19+$0xFFFFFFC0 ss:$0x1] =	vst.idx.msk $0xffff, v9;
	v6 =	vld.idx.msk [tilespmem:v1+s19+$0xFFFFFFF0 ss:$0x1], $0xffff  }
.Ltmp4:
0x56: {  	_ = 	snop;
	(pc) =	sbr.rel .LBB1_4-.Ltmp4, $1  }
0x57: {  	_ =	sdelay $0x3  }
.LBB1_6:
0x58: {  	_ =	sfence.sel $0x180000  }
0x59: {  	s2 =	simm.s32 $0x1;
	[bflag:$0x0] =	sbarrier.arrive $0xFFFF  }
0x5a: {  	s31 =	simm.s32 $0x2;
	[sflag:s2] =	ssyncpa.u1 $0x1  }
0x5b: {  	[sflag:s31] =	ssyncpa.u1 $0x1  }
0x5c: {  	p0 =	sne.s32 s0, $0x0;
	_ =	strace $0x9000004D  }
0x5d: {  	s0 =	sadd.s32 @!p0 $0x100000, s1;
	[bflag:$0x2] =	sbarrier.arrive $0xFFFF  }
0x5e: {  	[sflag:s0] =	ssyncadd.tile.s32 @!p0 $0x1;
	_ =	shalt  }
.Lfunc_end1:
_tile_overlayer_lowered:
.L_overlay_start_2:
0x5f: {  	(tag) =	ssettag $0x2  }
0x60: {  	s0 =	rddreg [dreg:$0x0];
	s2 =	stileid.u32  }
0x61: {  	s1 =	rddreg [dreg:$0x1];
	p0 =	sne.s32 s2, $0x0  }
0x62: {  	s3 =	rddreg [dreg:$0x2];
	[bflag:$0x3] =	sbarrier.arrive $0xFFFF;
	s2 =	simm.s32 @!p0 $0x1C01  }
0x63: {  	[timem:s3], [sflag:s2] =	dma.local @!p0 [hbm:s0], s1  }
0x64: {  	s0 =	simm.s32 @!p0 $0x1  }
0x65: {  	_ =	swait.ge @!p0 [sflag:s0], s1  }
0x66: {  	s1 =	ssub.s32 @!p0 $0x0, s1;
	[sflag:s0] =	ssyncset.done @!p0 $0x0  }
0x67: {  	[sflag:s0] =	ssyncadd.s32 @!p0 s1  }
0x68: {  	[bflag:$0x3] =	sbarrier.arrive $0xFFFF  }
0x69: {  	_ =	shalt  }

</sc_bundles>
